<compile_context>
chip_gen: v7x
topology: tpu7x:2x2x1
jax: 0.10.2.dev20260603
libtpu: 0.0.44.dev20260713+nightly
codegen_flags: <defaults>
</compile_context>

<pallas_src>
import functools

import jax
import jax.numpy as jnp
from jax import lax
from jax.experimental import pallas as pl
from jax.experimental.pallas import tpu as pltpu
from jax.experimental.pallas import tpu_sc as plsc

N = 10000
D = 128
E = 320000

NC = 2
NS = 16
NW = NC * NS

NPAD = 10240
ROWS_PER_TILE = NPAD // NS

CH = 125
CPT = 80
PCH = 40

_mesh = plsc.VectorSubcoreMesh(
    core_axis_name="c", subcore_axis_name="s", num_cores=NC, num_subcores=NS
)


@functools.partial(
    pl.kernel,
    out_type=jax.ShapeDtypeStruct((NC, NPAD), jnp.float32),
    mesh=_mesh,
    scratch_types=[
        pltpu.VMEM((CPT, CH), jnp.int32),
        pltpu.VMEM((CH,), jnp.float32),
        pltpu.VMEM_SHARED((NPAD,), jnp.float32),
        pltpu.SemaphoreType.DMA,
    ],
)
def _deg_kernel(dst_hbm, ones_hbm, zeros_hbm, out_hbm, idx_v, ones_v, deg_sh,
                sem):
    c = lax.axis_index("c")
    s = lax.axis_index("s")
    wid = s * NC + c
    row0 = s * ROWS_PER_TILE
    pltpu.sync_copy(zeros_hbm, deg_sh.at[pl.ds(row0, ROWS_PER_TILE)])
    pltpu.sync_copy(ones_hbm, ones_v)
    pltpu.sync_copy(dst_hbm.at[wid], idx_v)
    plsc.subcore_barrier()

    def fire(j, carry):
        pltpu.async_copy(ones_v, deg_sh.at[idx_v.at[j]], sem, add=True)
        return carry

    lax.fori_loop(0, CPT, fire, 0)

    def drain(j, carry):
        pltpu.make_async_copy(ones_v, deg_sh.at[idx_v.at[j]], sem).wait()
        return carry

    lax.fori_loop(0, CPT, drain, 0)
    plsc.subcore_barrier()
    pltpu.sync_copy(deg_sh.at[pl.ds(row0, ROWS_PER_TILE)],
                    out_hbm.at[c, pl.ds(row0, ROWS_PER_TILE)])


@functools.partial(
    pl.kernel,
    out_type=jax.ShapeDtypeStruct((NC, NPAD, D), jnp.float32),
    mesh=_mesh,
    scratch_types=[
        pltpu.VMEM((PCH, CH), jnp.int32),
        pltpu.VMEM((PCH, CH), jnp.int32),
        pltpu.VMEM((CH, D), jnp.float32),
        pltpu.VMEM((CH, D), jnp.float32),
        pltpu.VMEM_SHARED((NPAD, D), jnp.float32),
        pltpu.SemaphoreType.DMA,
        pltpu.SemaphoreType.DMA,
    ],
)
def _edge_kernel(g_hbm, src_hbm, dst_hbm, zeros_hbm, out_hbm,
                 src_v, dst_v, buf0_v, buf1_v, acc_sh, sem0, sem1):
    c = lax.axis_index("c")
    s = lax.axis_index("s")
    wid = s * NC + c
    row0 = s * ROWS_PER_TILE

    bufs = (buf0_v, buf1_v)
    sems = (sem0, sem1)

    def gather(j, b):
        pltpu.async_copy(g_hbm.at[src_v.at[j]], bufs[b], sems[b])

    def drain_scatter(j, b):
        pltpu.make_async_copy(g_hbm.at[src_v.at[j]], bufs[b], sems[b]).wait()
        pltpu.sync_copy(bufs[b], acc_sh.at[dst_v.at[j]], add=True)

    def load_idx(p):
        pltpu.sync_copy(src_hbm.at[wid, pl.ds(p * PCH, PCH)], src_v)
        pltpu.sync_copy(dst_hbm.at[wid, pl.ds(p * PCH, PCH)], dst_v)

    def run_phase():
        gather(0, 0)

        def body(i, carry):
            j = i * 2
            gather(j + 1, 1)
            drain_scatter(j, 0)

            @pl.when(j + 2 < PCH)
            def _():
                gather(j + 2, 0)

            drain_scatter(j + 1, 1)
            return carry

        lax.fori_loop(0, PCH // 2, body, 0)

    load_idx(0)
    pltpu.sync_copy(zeros_hbm, acc_sh.at[pl.ds(row0, ROWS_PER_TILE)])
    plsc.subcore_barrier()
    run_phase()
    load_idx(1)
    run_phase()
    plsc.subcore_barrier()
    pltpu.sync_copy(acc_sh.at[pl.ds(row0, ROWS_PER_TILE)],
                    out_hbm.at[c, pl.ds(row0, ROWS_PER_TILE)])


_BR = 256


def _dinv_block(deg_ref):
    i = pl.program_id(0)
    sl = pl.ds(i * _BR, _BR)
    deg = deg_ref[0, sl] + deg_ref[1, sl] + 1.0
    return lax.rsqrt(jnp.maximum(deg, 1e-12))


def _mm_body(deg_ref, x_ref, wt_ref, g_ref):
    dinv = _dinv_block(deg_ref)
    h = jnp.dot(x_ref[...], wt_ref[...], preferred_element_type=jnp.float32)
    g_ref[...] = h * dinv[:, None]


def _fin_body(w_ref, deg_ref, acc_ref, g_ref, b_ref, o_ref):
    dinv = _dinv_block(deg_ref)
    z = (acc_ref[0] + acc_ref[1] + g_ref[...]) * dinv[:, None] + b_ref[...]
    o_ref[...] = jnp.where(z >= 0, z, w_ref[0] * z)


def kernel(x, edge_index, W, b, prelu_weight):
    ei = edge_index.astype(jnp.int32).reshape(2, NW, CPT, CH)
    src_t = ei[0]
    dst_t = ei[1]
    wt = W.T

    ones1 = jnp.ones((CH,), jnp.float32)
    zeros1 = jnp.zeros((ROWS_PER_TILE,), jnp.float32)
    zerosd = jnp.zeros((ROWS_PER_TILE, D), jnp.float32)

    degp = _deg_kernel(dst_t, ones1, zeros1)

    g = pl.pallas_call(
        _mm_body,
        grid=(pl.cdiv(N, _BR),),
        in_specs=[
            pl.BlockSpec((NC, NPAD), lambda i: (0, 0)),
            pl.BlockSpec((_BR, D), lambda i: (i, 0)),
            pl.BlockSpec((D, D), lambda i: (0, 0)),
        ],
        out_specs=pl.BlockSpec((_BR, D), lambda i: (i, 0)),
        out_shape=jax.ShapeDtypeStruct((N, D), jnp.float32),
    )(degp, x, wt)

    accp = _edge_kernel(g, src_t, dst_t, zerosd)

    out = pl.pallas_call(
        _fin_body,
        grid=(pl.cdiv(N, _BR),),
        in_specs=[
            pl.BlockSpec(memory_space=pltpu.SMEM),
            pl.BlockSpec((NC, NPAD), lambda i: (0, 0)),
            pl.BlockSpec((NC, _BR, D), lambda i: (0, i, 0)),
            pl.BlockSpec((_BR, D), lambda i: (i, 0)),
            pl.BlockSpec((1, D), lambda i: (0, 0)),
        ],
        out_specs=pl.BlockSpec((_BR, D), lambda i: (i, 0)),
        out_shape=jax.ShapeDtypeStruct((N, D), jnp.float32),
    )(prelu_weight.reshape(1), degp, accp, g, b.reshape(1, D))

    return out

# --- scband reference (transcript-rebuilt; emitter-appended) ---
"""Pipeline reference for scband-gclmcdr-53326313947268 (READ-ONLY COPY).

The authoritative reference and input builder live on the scoring server;
editing this copy changes nothing except your own understanding.
"""

import jax, jax.numpy as jnp
import numpy as np

N_NODES = 10000
N_EDGES = 320000
IN_DIM = 128
HID_DIM = 128


def setup_inputs(seed: int = 0) -> dict:
    key = jax.random.key(seed)
    k1, k2, k3 = jax.random.split(key, 3)
    x = jax.random.normal(k1, (N_NODES, IN_DIM), dtype=jnp.float32)
    edge_index = jax.random.randint(k2, (2, N_EDGES), 0, N_NODES)
    # Learned parameters for GCNConv(input_dim, hidden_dim) + PReLU
    W = jax.random.normal(k3, (HID_DIM, IN_DIM), dtype=jnp.float32) * (1.0 / np.sqrt(IN_DIM))
    b = jnp.zeros((HID_DIM,), dtype=jnp.float32)
    prelu_weight = jnp.asarray(0.25, dtype=jnp.float32)
    return {"x": x, "edge_index": edge_index, "W": W, "b": b, "prelu_weight": prelu_weight}


def reference(x, edge_index, W, b, prelu_weight):
    # GCLMEncoder forward (eval mode, dropout = identity):
    #   edge_index, _ = add_self_loops(edge_index, num_nodes=N)
    #   h = GCNConv(x, edge_index); h = PReLU(h)
    N = x.shape[0]
    loops = jnp.arange(N, dtype=edge_index.dtype)
    src = jnp.concatenate([edge_index[0], loops])
    dst = jnp.concatenate([edge_index[1], loops])
    # symmetric normalization: deg computed on dst with unit edge weights
    deg = jnp.zeros((N,), dtype=x.dtype).at[dst].add(1.0)
    dinv = jax.lax.rsqrt(jnp.maximum(deg, 1e-12))
    norm = dinv[src] * dinv[dst]
    # linear transform, gather messages from src, scatter-add into dst
    h = x @ W.T
    msg = jnp.take(h, src, axis=0) * norm[:, None]
    out = jnp.zeros((N, h.shape[1]), dtype=x.dtype).at[dst].add(msg)
    out = out + b
    # PReLU
    out = jnp.where(out >= 0, out, prelu_weight * out)
    return out

if __name__ == "__main__":
    import jax
    _d = setup_inputs()
    print(jax.jit(kernel)(*tuple(_d.values())))

</pallas_src>

<mosaic_0001>
#map = affine_map<(d0, d1) -> (0, 0, 0)>
#map1 = affine_map<(d0, d1) -> (0)>
#map2 = affine_map<(d0, d1) -> (0, 0)>
module attributes {stable_mosaic.version = 14 : i64} {
  func.func @_deg_kernel(%arg0: i32, %arg1: i32, %arg2: memref<32x80x125xi32, #tpu.memory_space<hbm>>, %arg3: memref<125xf32, #tpu.memory_space<hbm>>, %arg4: memref<640xf32, #tpu.memory_space<hbm>>, %arg5: memref<2x10240xf32, #tpu.memory_space<hbm>>, %arg6: memref<80x125xi32, #tpu.memory_space<vmem>>, %arg7: memref<125xf32, #tpu.memory_space<vmem>>, %arg8: memref<10240xf32, #tpu.memory_space<vmem_shared>>, %arg9: memref<!tpu.dma_semaphore, #tpu.memory_space<semaphore_mem>>) attributes {dimension_semantics = [#tpu.dimension_semantics<core_parallel>, #tpu.dimension_semantics<subcore_parallel>], iteration_bounds = array<i64: 2, 16>, scalar_prefetch = 0 : i64, scratch_operands = 4 : i64, tpu.core_type = #tpu.core_type<sc_vector_subcore>, window_params = [{transform_indices = #map}, {transform_indices = #map1}, {transform_indices = #map1}, {transform_indices = #map2}]} {
    %mul3A = arith.constant 2 : i32
    %mul3A_0 = arith.muli %arg1, %mul3A : i32
    %add3A = arith.addi %mul3A_0, %arg0 : i32
    %mul3A_1 = arith.constant 640 : i32
    %mul3A_2 = arith.muli %arg1, %mul3A_1 : i32
    "tpu.region"() ({
      %run_scoped3A = tpu.sem_alloc : memref<!tpu.dma_semaphore, #tpu.memory_space<semaphore_mem>>
      %dma_start3A = tpu.memref_slice %arg8[%mul3A_2] : memref<10240xf32, #tpu.memory_space<vmem_shared>> -> memref<640xf32, #tpu.memory_space<vmem_shared>>
      tpu.enqueue_dma source(%arg4 : memref<640xf32, #tpu.memory_space<hbm>>) target(%dma_start3A : memref<640xf32, #tpu.memory_space<vmem_shared>>) target_semaphore(%run_scoped3A : memref<!tpu.dma_semaphore, #tpu.memory_space<semaphore_mem>>)
      %dma_wait3A = tpu.memref_slice %arg8[%mul3A_2] : memref<10240xf32, #tpu.memory_space<vmem_shared>> -> memref<640xf32, #tpu.memory_space<vmem_shared>>
      tpu.wait_dma2 semaphore(%run_scoped3A : memref<!tpu.dma_semaphore, #tpu.memory_space<semaphore_mem>>) src(%arg4 : memref<640xf32, #tpu.memory_space<hbm>>) dst(%dma_wait3A : memref<640xf32, #tpu.memory_space<vmem_shared>>)
      tpu.yield
    }) : () -> ()
    "tpu.region"() ({
      %run_scoped3A = tpu.sem_alloc : memref<!tpu.dma_semaphore, #tpu.memory_space<semaphore_mem>>
      tpu.enqueue_dma source(%arg3 : memref<125xf32, #tpu.memory_space<hbm>>) target(%arg7 : memref<125xf32, #tpu.memory_space<vmem>>) target_semaphore(%run_scoped3A : memref<!tpu.dma_semaphore, #tpu.memory_space<semaphore_mem>>)
      tpu.wait_dma2 semaphore(%run_scoped3A : memref<!tpu.dma_semaphore, #tpu.memory_space<semaphore_mem>>) src(%arg3 : memref<125xf32, #tpu.memory_space<hbm>>) dst(%arg7 : memref<125xf32, #tpu.memory_space<vmem>>)
      tpu.yield
    }) : () -> ()
    "tpu.region"() ({
      %run_scoped3A = tpu.sem_alloc : memref<!tpu.dma_semaphore, #tpu.memory_space<semaphore_mem>>
      %dma_start3A = arith.constant 0 : i32
      %dma_start3A_15 = arith.constant 0 : i32
      %dma_start3A_16 = tpu.memref_slice %arg2[%add3A, %dma_start3A, %dma_start3A_15] : memref<32x80x125xi32, #tpu.memory_space<hbm>> -> memref<1x80x125xi32, #tpu.memory_space<hbm>>
      %dma_start3A_17 = tpu.memref_squeeze %dma_start3A_16 : memref<1x80x125xi32, #tpu.memory_space<hbm>> -> memref<80x125xi32, #tpu.memory_space<hbm>>
      %dma_start3A_18 = arith.constant 0 : i32
      %dma_start3A_19 = arith.constant 0 : i32
      %dma_start3A_20 = tpu.memref_slice %arg2[%add3A, %dma_start3A_18, %dma_start3A_19] : memref<32x80x125xi32, #tpu.memory_space<hbm>> -> memref<1x80x125xi32, #tpu.memory_space<hbm>>
      %dma_start3A_21 = tpu.memref_squeeze %dma_start3A_20 : memref<1x80x125xi32, #tpu.memory_space<hbm>> -> memref<80x125xi32, #tpu.memory_space<hbm>>
      tpu.enqueue_dma source(%dma_start3A_21 : memref<80x125xi32, #tpu.memory_space<hbm>>) target(%arg6 : memref<80x125xi32, #tpu.memory_space<vmem>>) target_semaphore(%run_scoped3A : memref<!tpu.dma_semaphore, #tpu.memory_space<semaphore_mem>>)
      %dma_wait3A = arith.constant 0 : i32
      %dma_wait3A_22 = arith.constant 0 : i32
      %dma_wait3A_23 = tpu.memref_slice %arg2[%add3A, %dma_wait3A, %dma_wait3A_22] : memref<32x80x125xi32, #tpu.memory_space<hbm>> -> memref<1x80x125xi32, #tpu.memory_space<hbm>>
      %dma_wait3A_24 = tpu.memref_squeeze %dma_wait3A_23 : memref<1x80x125xi32, #tpu.memory_space<hbm>> -> memref<80x125xi32, #tpu.memory_space<hbm>>
      %dma_wait3A_25 = arith.constant 0 : i32
      %dma_wait3A_26 = arith.constant 0 : i32
      %dma_wait3A_27 = tpu.memref_slice %arg2[%add3A, %dma_wait3A_25, %dma_wait3A_26] : memref<32x80x125xi32, #tpu.memory_space<hbm>> -> memref<1x80x125xi32, #tpu.memory_space<hbm>>
      %dma_wait3A_28 = tpu.memref_squeeze %dma_wait3A_27 : memref<1x80x125xi32, #tpu.memory_space<hbm>> -> memref<80x125xi32, #tpu.memory_space<hbm>>
      tpu.wait_dma2 semaphore(%run_scoped3A : memref<!tpu.dma_semaphore, #tpu.memory_space<semaphore_mem>>) src(%dma_wait3A_28 : memref<80x125xi32, #tpu.memory_space<hbm>>) dst(%arg6 : memref<80x125xi32, #tpu.memory_space<vmem>>)
      tpu.yield
    }) : () -> ()
    %barrier3A = arith.constant 0 : index
    tpu.barrier barrier_id(%barrier3A)
    %scan3A = arith.constant 0 : i32
    %scan3A_3 = arith.constant 0 : i32
    %scan3A_4 = arith.constant 80 : i32
    %scan3A_5 = arith.addi %scan3A_3, %scan3A_4 : i32
    %scan3A_6 = arith.constant 1 : i32
    scf.for %scan3A_15 = %scan3A_3 to %scan3A_5 step %scan3A_6  : i32 {
      %dma_start3A = arith.constant 0 : i32
      %dma_start3A_16 = tpu.memref_slice %arg6[%scan3A_15, %dma_start3A] : memref<80x125xi32, #tpu.memory_space<vmem>> -> memref<1x125xi32, #tpu.memory_space<vmem>>
      %dma_start3A_17 = tpu.memref_squeeze %dma_start3A_16 : memref<1x125xi32, #tpu.memory_space<vmem>> -> memref<125xi32, #tpu.memory_space<vmem>>
      %dma_start3A_18 = arith.constant 0 : i32
      %dma_start3A_19 = tpu.memref_slice %arg8[%dma_start3A_18] : memref<10240xf32, #tpu.memory_space<vmem_shared>> -> memref<10240xf32, #tpu.memory_space<vmem_shared>>
      tpu.enqueue_indirect_dma source(%arg7 : memref<125xf32, #tpu.memory_space<vmem>>) target(%dma_start3A_19 : memref<10240xf32, #tpu.memory_space<vmem_shared>>) offsets(%dma_start3A_17 : memref<125xi32, #tpu.memory_space<vmem>>) semaphore(%arg9 : memref<!tpu.dma_semaphore, #tpu.memory_space<semaphore_mem>>) {add = true}
    }
    %scan3A_7 = arith.constant 80 : i32
    %scan3A_8 = arith.constant 0 : i32
    %scan3A_9 = arith.constant 0 : i32
    %scan3A_10 = arith.constant 80 : i32
    %scan3A_11 = arith.addi %scan3A_9, %scan3A_10 : i32
    %scan3A_12 = arith.constant 1 : i32
    scf.for %scan3A_15 = %scan3A_9 to %scan3A_11 step %scan3A_12  : i32 {
      %dma_wait3A = arith.constant 0 : i32
      %dma_wait3A_16 = tpu.memref_slice %arg6[%scan3A_15, %dma_wait3A] : memref<80x125xi32, #tpu.memory_space<vmem>> -> memref<1x125xi32, #tpu.memory_space<vmem>>
      %dma_wait3A_17 = tpu.memref_squeeze %dma_wait3A_16 : memref<1x125xi32, #tpu.memory_space<vmem>> -> memref<125xi32, #tpu.memory_space<vmem>>
      %dma_wait3A_18 = arith.constant 0 : i32
      %dma_wait3A_19 = tpu.memref_slice %arg8[%dma_wait3A_18] : memref<10240xf32, #tpu.memory_space<vmem_shared>> -> memref<10240xf32, #tpu.memory_space<vmem_shared>>
      tpu.wait_indirect_dma semaphore(%arg9 : memref<!tpu.dma_semaphore, #tpu.memory_space<semaphore_mem>>) src(%arg7 : memref<125xf32, #tpu.memory_space<vmem>>) dst(%dma_wait3A_19 : memref<10240xf32, #tpu.memory_space<vmem_shared>>)
    }
    %scan3A_13 = arith.constant 80 : i32
    %barrier3A_14 = arith.constant 0 : index
    tpu.barrier barrier_id(%barrier3A_14)
    "tpu.region"() ({
      %run_scoped3A = tpu.sem_alloc : memref<!tpu.dma_semaphore, #tpu.memory_space<semaphore_mem>>
      %dma_start3A = tpu.memref_slice %arg5[%arg0, %mul3A_2] : memref<2x10240xf32, #tpu.memory_space<hbm>> -> memref<1x640xf32, #tpu.memory_space<hbm>>
      %dma_start3A_15 = tpu.memref_squeeze %dma_start3A : memref<1x640xf32, #tpu.memory_space<hbm>> -> memref<640xf32, #tpu.memory_space<hbm>>
      %dma_start3A_16 = tpu.memref_slice %arg8[%mul3A_2] : memref<10240xf32, #tpu.memory_space<vmem_shared>> -> memref<640xf32, #tpu.memory_space<vmem_shared>>
      tpu.enqueue_dma source(%dma_start3A_16 : memref<640xf32, #tpu.memory_space<vmem_shared>>) target(%dma_start3A_15 : memref<640xf32, #tpu.memory_space<hbm>>) target_semaphore(%run_scoped3A : memref<!tpu.dma_semaphore, #tpu.memory_space<semaphore_mem>>)
      %dma_wait3A = tpu.memref_slice %arg5[%arg0, %mul3A_2] : memref<2x10240xf32, #tpu.memory_space<hbm>> -> memref<1x640xf32, #tpu.memory_space<hbm>>
      %dma_wait3A_17 = tpu.memref_squeeze %dma_wait3A : memref<1x640xf32, #tpu.memory_space<hbm>> -> memref<640xf32, #tpu.memory_space<hbm>>
      %dma_wait3A_18 = tpu.memref_slice %arg8[%mul3A_2] : memref<10240xf32, #tpu.memory_space<vmem_shared>> -> memref<640xf32, #tpu.memory_space<vmem_shared>>
      tpu.wait_dma2 semaphore(%run_scoped3A : memref<!tpu.dma_semaphore, #tpu.memory_space<semaphore_mem>>) src(%dma_wait3A_18 : memref<640xf32, #tpu.memory_space<vmem_shared>>) dst(%dma_wait3A_17 : memref<640xf32, #tpu.memory_space<hbm>>)
      tpu.yield
    }) : () -> ()
    return
  }
}

#map = affine_map<(d0, d1) -> (0, 0)>
#map1 = affine_map<(d0, d1) -> (0, 0, 0)>
module attributes {stable_mosaic.version = 14 : i64} {
  func.func @_edge_kernel(%arg0: i32, %arg1: i32, %arg2: memref<10000x128xf32, #tpu.memory_space<hbm>>, %arg3: memref<32x80x125xi32, #tpu.memory_space<hbm>>, %arg4: memref<32x80x125xi32, #tpu.memory_space<hbm>>, %arg5: memref<640x128xf32, #tpu.memory_space<hbm>>, %arg6: memref<2x10240x128xf32, #tpu.memory_space<hbm>>, %arg7: memref<40x125xi32, #tpu.memory_space<vmem>>, %arg8: memref<40x125xi32, #tpu.memory_space<vmem>>, %arg9: memref<125x128xf32, #tpu.memory_space<vmem>>, %arg10: memref<125x128xf32, #tpu.memory_space<vmem>>, %arg11: memref<10240x128xf32, #tpu.memory_space<vmem_shared>>, %arg12: memref<!tpu.dma_semaphore, #tpu.memory_space<semaphore_mem>>, %arg13: memref<!tpu.dma_semaphore, #tpu.memory_space<semaphore_mem>>) attributes {dimension_semantics = [#tpu.dimension_semantics<core_parallel>, #tpu.dimension_semantics<subcore_parallel>], iteration_bounds = array<i64: 2, 16>, scalar_prefetch = 0 : i64, scratch_operands = 7 : i64, tpu.core_type = #tpu.core_type<sc_vector_subcore>, window_params = [{transform_indices = #map}, {transform_indices = #map1}, {transform_indices = #map1}, {transform_indices = #map}, {transform_indices = #map1}]} {
    %mul3A = arith.constant 2 : i32
    %mul3A_0 = arith.muli %arg1, %mul3A : i32
    %add3A = arith.addi %mul3A_0, %arg0 : i32
    %mul3A_1 = arith.constant 640 : i32
    %mul3A_2 = arith.muli %arg1, %mul3A_1 : i32
    "tpu.region"() ({
      %run_scoped3A = tpu.sem_alloc : memref<!tpu.dma_semaphore, #tpu.memory_space<semaphore_mem>>
      %dma_start3A_28 = arith.constant 0 : i32
      %dma_start3A_29 = arith.constant 0 : i32
      %dma_start3A_30 = tpu.memref_slice %arg3[%add3A, %dma_start3A_28, %dma_start3A_29] : memref<32x80x125xi32, #tpu.memory_space<hbm>> -> memref<1x40x125xi32, #tpu.memory_space<hbm>>
      %dma_start3A_31 = tpu.memref_squeeze %dma_start3A_30 : memref<1x40x125xi32, #tpu.memory_space<hbm>> -> memref<40x125xi32, #tpu.memory_space<hbm>>
      %dma_start3A_32 = arith.constant 0 : i32
      %dma_start3A_33 = arith.constant 0 : i32
      %dma_start3A_34 = tpu.memref_slice %arg3[%add3A, %dma_start3A_32, %dma_start3A_33] : memref<32x80x125xi32, #tpu.memory_space<hbm>> -> memref<1x40x125xi32, #tpu.memory_space<hbm>>
      %dma_start3A_35 = tpu.memref_squeeze %dma_start3A_34 : memref<1x40x125xi32, #tpu.memory_space<hbm>> -> memref<40x125xi32, #tpu.memory_space<hbm>>
      tpu.enqueue_dma source(%dma_start3A_35 : memref<40x125xi32, #tpu.memory_space<hbm>>) target(%arg7 : memref<40x125xi32, #tpu.memory_space<vmem>>) target_semaphore(%run_scoped3A : memref<!tpu.dma_semaphore, #tpu.memory_space<semaphore_mem>>)
      %dma_wait3A = arith.constant 0 : i32
      %dma_wait3A_36 = arith.constant 0 : i32
      %dma_wait3A_37 = tpu.memref_slice %arg3[%add3A, %dma_wait3A, %dma_wait3A_36] : memref<32x80x125xi32, #tpu.memory_space<hbm>> -> memref<1x40x125xi32, #tpu.memory_space<hbm>>
      %dma_wait3A_38 = tpu.memref_squeeze %dma_wait3A_37 : memref<1x40x125xi32, #tpu.memory_space<hbm>> -> memref<40x125xi32, #tpu.memory_space<hbm>>
      %dma_wait3A_39 = arith.constant 0 : i32
      %dma_wait3A_40 = arith.constant 0 : i32
      %dma_wait3A_41 = tpu.memref_slice %arg3[%add3A, %dma_wait3A_39, %dma_wait3A_40] : memref<32x80x125xi32, #tpu.memory_space<hbm>> -> memref<1x40x125xi32, #tpu.memory_space<hbm>>
      %dma_wait3A_42 = tpu.memref_squeeze %dma_wait3A_41 : memref<1x40x125xi32, #tpu.memory_space<hbm>> -> memref<40x125xi32, #tpu.memory_space<hbm>>
      tpu.wait_dma2 semaphore(%run_scoped3A : memref<!tpu.dma_semaphore, #tpu.memory_space<semaphore_mem>>) src(%dma_wait3A_42 : memref<40x125xi32, #tpu.memory_space<hbm>>) dst(%arg7 : memref<40x125xi32, #tpu.memory_space<vmem>>)
      tpu.yield
    }) : () -> ()
    "tpu.region"() ({
      %run_scoped3A = tpu.sem_alloc : memref<!tpu.dma_semaphore, #tpu.memory_space<semaphore_mem>>
      %dma_start3A_28 = arith.constant 0 : i32
      %dma_start3A_29 = arith.constant 0 : i32
      %dma_start3A_30 = tpu.memref_slice %arg4[%add3A, %dma_start3A_28, %dma_start3A_29] : memref<32x80x125xi32, #tpu.memory_space<hbm>> -> memref<1x40x125xi32, #tpu.memory_space<hbm>>
      %dma_start3A_31 = tpu.memref_squeeze %dma_start3A_30 : memref<1x40x125xi32, #tpu.memory_space<hbm>> -> memref<40x125xi32, #tpu.memory_space<hbm>>
      %dma_start3A_32 = arith.constant 0 : i32
      %dma_start3A_33 = arith.constant 0 : i32
      %dma_start3A_34 = tpu.memref_slice %arg4[%add3A, %dma_start3A_32, %dma_start3A_33] : memref<32x80x125xi32, #tpu.memory_space<hbm>> -> memref<1x40x125xi32, #tpu.memory_space<hbm>>
      %dma_start3A_35 = tpu.memref_squeeze %dma_start3A_34 : memref<1x40x125xi32, #tpu.memory_space<hbm>> -> memref<40x125xi32, #tpu.memory_space<hbm>>
      tpu.enqueue_dma source(%dma_start3A_35 : memref<40x125xi32, #tpu.memory_space<hbm>>) target(%arg8 : memref<40x125xi32, #tpu.memory_space<vmem>>) target_semaphore(%run_scoped3A : memref<!tpu.dma_semaphore, #tpu.memory_space<semaphore_mem>>)
      %dma_wait3A = arith.constant 0 : i32
      %dma_wait3A_36 = arith.constant 0 : i32
      %dma_wait3A_37 = tpu.memref_slice %arg4[%add3A, %dma_wait3A, %dma_wait3A_36] : memref<32x80x125xi32, #tpu.memory_space<hbm>> -> memref<1x40x125xi32, #tpu.memory_space<hbm>>
      %dma_wait3A_38 = tpu.memref_squeeze %dma_wait3A_37 : memref<1x40x125xi32, #tpu.memory_space<hbm>> -> memref<40x125xi32, #tpu.memory_space<hbm>>
      %dma_wait3A_39 = arith.constant 0 : i32
      %dma_wait3A_40 = arith.constant 0 : i32
      %dma_wait3A_41 = tpu.memref_slice %arg4[%add3A, %dma_wait3A_39, %dma_wait3A_40] : memref<32x80x125xi32, #tpu.memory_space<hbm>> -> memref<1x40x125xi32, #tpu.memory_space<hbm>>
      %dma_wait3A_42 = tpu.memref_squeeze %dma_wait3A_41 : memref<1x40x125xi32, #tpu.memory_space<hbm>> -> memref<40x125xi32, #tpu.memory_space<hbm>>
      tpu.wait_dma2 semaphore(%run_scoped3A : memref<!tpu.dma_semaphore, #tpu.memory_space<semaphore_mem>>) src(%dma_wait3A_42 : memref<40x125xi32, #tpu.memory_space<hbm>>) dst(%arg8 : memref<40x125xi32, #tpu.memory_space<vmem>>)
      tpu.yield
    }) : () -> ()
    "tpu.region"() ({
      %run_scoped3A = tpu.sem_alloc : memref<!tpu.dma_semaphore, #tpu.memory_space<semaphore_mem>>
      %dma_start3A_28 = arith.constant 0 : i32
      %dma_start3A_29 = tpu.memref_slice %arg11[%mul3A_2, %dma_start3A_28] : memref<10240x128xf32, #tpu.memory_space<vmem_shared>> -> memref<640x128xf32, #tpu.memory_space<vmem_shared>>
      tpu.enqueue_dma source(%arg5 : memref<640x128xf32, #tpu.memory_space<hbm>>) target(%dma_start3A_29 : memref<640x128xf32, #tpu.memory_space<vmem_shared>>) target_semaphore(%run_scoped3A : memref<!tpu.dma_semaphore, #tpu.memory_space<semaphore_mem>>)
      %dma_wait3A = arith.constant 0 : i32
      %dma_wait3A_30 = tpu.memref_slice %arg11[%mul3A_2, %dma_wait3A] : memref<10240x128xf32, #tpu.memory_space<vmem_shared>> -> memref<640x128xf32, #tpu.memory_space<vmem_shared>>
      tpu.wait_dma2 semaphore(%run_scoped3A : memref<!tpu.dma_semaphore, #tpu.memory_space<semaphore_mem>>) src(%arg5 : memref<640x128xf32, #tpu.memory_space<hbm>>) dst(%dma_wait3A_30 : memref<640x128xf32, #tpu.memory_space<vmem_shared>>)
      tpu.yield
    }) : () -> ()
    %barrier3A = arith.constant 0 : index
    tpu.barrier barrier_id(%barrier3A)
    %dma_start3A = arith.constant 0 : i32
    %dma_start3A_3 = arith.constant 0 : i32
    %dma_start3A_4 = tpu.memref_slice %arg7[%dma_start3A, %dma_start3A_3] : memref<40x125xi32, #tpu.memory_space<vmem>> -> memref<1x125xi32, #tpu.memory_space<vmem>>
    %dma_start3A_5 = tpu.memref_squeeze %dma_start3A_4 : memref<1x125xi32, #tpu.memory_space<vmem>> -> memref<125xi32, #tpu.memory_space<vmem>>
    %dma_start3A_6 = arith.constant 0 : i32
    %dma_start3A_7 = arith.constant 0 : i32
    %dma_start3A_8 = tpu.memref_slice %arg2[%dma_start3A_6, %dma_start3A_7] : memref<10000x128xf32, #tpu.memory_space<hbm>> -> memref<10000x128xf32, #tpu.memory_space<hbm>>
    tpu.enqueue_indirect_dma source(%dma_start3A_8 : memref<10000x128xf32, #tpu.memory_space<hbm>>) target(%arg9 : memref<125x128xf32, #tpu.memory_space<vmem>>) offsets(%dma_start3A_5 : memref<125xi32, #tpu.memory_space<vmem>>) semaphore(%arg12 : memref<!tpu.dma_semaphore, #tpu.memory_space<semaphore_mem>>)
    %scan3A = arith.constant 0 : i32
    %scan3A_9 = arith.constant 0 : i32
    %scan3A_10 = arith.constant 20 : i32
    %scan3A_11 = arith.addi %scan3A_9, %scan3A_10 : i32
    %scan3A_12 = arith.constant 1 : i32
    scf.for %scan3A_28 = %scan3A_9 to %scan3A_11 step %scan3A_12  : i32 {
      %mul3A_29 = arith.constant 2 : i32
      %mul3A_30 = arith.muli %scan3A_28, %mul3A_29 : i32
      %add3A_31 = arith.constant 1 : i32
      %add3A_32 = arith.addi %mul3A_30, %add3A_31 : i32
      %dma_start3A_33 = arith.constant 0 : i32
      %dma_start3A_34 = tpu.memref_slice %arg7[%add3A_32, %dma_start3A_33] : memref<40x125xi32, #tpu.memory_space<vmem>> -> memref<1x125xi32, #tpu.memory_space<vmem>>
      %dma_start3A_35 = tpu.memref_squeeze %dma_start3A_34 : memref<1x125xi32, #tpu.memory_space<vmem>> -> memref<125xi32, #tpu.memory_space<vmem>>
      %dma_start3A_36 = arith.constant 0 : i32
      %dma_start3A_37 = arith.constant 0 : i32
      %dma_start3A_38 = tpu.memref_slice %arg2[%dma_start3A_36, %dma_start3A_37] : memref<10000x128xf32, #tpu.memory_space<hbm>> -> memref<10000x128xf32, #tpu.memory_space<hbm>>
      tpu.enqueue_indirect_dma source(%dma_start3A_38 : memref<10000x128xf32, #tpu.memory_space<hbm>>) target(%arg10 : memref<125x128xf32, #tpu.memory_space<vmem>>) offsets(%dma_start3A_35 : memref<125xi32, #tpu.memory_space<vmem>>) semaphore(%arg13 : memref<!tpu.dma_semaphore, #tpu.memory_space<semaphore_mem>>)
      %dma_wait3A = arith.constant 0 : i32
      %dma_wait3A_39 = tpu.memref_slice %arg7[%mul3A_30, %dma_wait3A] : memref<40x125xi32, #tpu.memory_space<vmem>> -> memref<1x125xi32, #tpu.memory_space<vmem>>
      %dma_wait3A_40 = tpu.memref_squeeze %dma_wait3A_39 : memref<1x125xi32, #tpu.memory_space<vmem>> -> memref<125xi32, #tpu.memory_space<vmem>>
      %dma_wait3A_41 = arith.constant 0 : i32
      %dma_wait3A_42 = arith.constant 0 : i32
      %dma_wait3A_43 = tpu.memref_slice %arg2[%dma_wait3A_41, %dma_wait3A_42] : memref<10000x128xf32, #tpu.memory_space<hbm>> -> memref<10000x128xf32, #tpu.memory_space<hbm>>
      tpu.wait_indirect_dma semaphore(%arg12 : memref<!tpu.dma_semaphore, #tpu.memory_space<semaphore_mem>>) src(%dma_wait3A_43 : memref<10000x128xf32, #tpu.memory_space<hbm>>) dst(%arg9 : memref<125x128xf32, #tpu.memory_space<vmem>>)
      "tpu.region"() ({
        %run_scoped3A = tpu.sem_alloc : memref<!tpu.dma_semaphore, #tpu.memory_space<semaphore_mem>>
        %dma_start3A_56 = arith.constant 0 : i32
        %dma_start3A_57 = tpu.memref_slice %arg8[%mul3A_30, %dma_start3A_56] : memref<40x125xi32, #tpu.memory_space<vmem>> -> memref<1x125xi32, #tpu.memory_space<vmem>>
        %dma_start3A_58 = tpu.memref_squeeze %dma_start3A_57 : memref<1x125xi32, #tpu.memory_space<vmem>> -> memref<125xi32, #tpu.memory_space<vmem>>
        %dma_start3A_59 = arith.constant 0 : i32
        %dma_start3A_60 = arith.constant 0 : i32
        %dma_start3A_61 = tpu.memref_slice %arg11[%dma_start3A_59, %dma_start3A_60] : memref<10240x128xf32, #tpu.memory_space<vmem_shared>> -> memref<10240x128xf32, #tpu.memory_space<vmem_shared>>
        tpu.enqueue_indirect_dma source(%arg9 : memref<125x128xf32, #tpu.memory_space<vmem>>) target(%dma_start3A_61 : memref<10240x128xf32, #tpu.memory_space<vmem_shared>>) offsets(%dma_start3A_58 : memref<125xi32, #tpu.memory_space<vmem>>) semaphore(%run_scoped3A : memref<!tpu.dma_semaphore, #tpu.memory_space<semaphore_mem>>) {add = true}
        %dma_wait3A_62 = arith.constant 0 : i32
        %dma_wait3A_63 = tpu.memref_slice %arg8[%mul3A_30, %dma_wait3A_62] : memref<40x125xi32, #tpu.memory_space<vmem>> -> memref<1x125xi32, #tpu.memory_space<vmem>>
        %dma_wait3A_64 = tpu.memref_squeeze %dma_wait3A_63 : memref<1x125xi32, #tpu.memory_space<vmem>> -> memref<125xi32, #tpu.memory_space<vmem>>
        %dma_wait3A_65 = arith.constant 0 : i32
        %dma_wait3A_66 = arith.constant 0 : i32
        %dma_wait3A_67 = tpu.memref_slice %arg11[%dma_wait3A_65, %dma_wait3A_66] : memref<10240x128xf32, #tpu.memory_space<vmem_shared>> -> memref<10240x128xf32, #tpu.memory_space<vmem_shared>>
        tpu.wait_indirect_dma semaphore(%run_scoped3A : memref<!tpu.dma_semaphore, #tpu.memory_space<semaphore_mem>>) src(%arg9 : memref<125x128xf32, #tpu.memory_space<vmem>>) dst(%dma_wait3A_67 : memref<10240x128xf32, #tpu.memory_space<vmem_shared>>)
        tpu.yield
      }) : () -> ()
      %add3A_44 = arith.constant 2 : i32
      %add3A_45 = arith.addi %mul3A_30, %add3A_44 : i32
      %lt3A = arith.constant 40 : i32
      %lt3A_46 = arith.cmpi slt, %add3A_45, %lt3A : i32
      %convert_element_type3A = arith.extui %lt3A_46 : i1 to i32
      %cond3A = arith.constant 0 : i32
      %cond3A_47 = arith.cmpi ne, %convert_element_type3A, %cond3A : i32
      scf.if %cond3A_47 {
        %add3A_56 = arith.constant 2 : i32
        %add3A_57 = arith.addi %mul3A_30, %add3A_56 : i32
        %dma_start3A_58 = arith.constant 0 : i32
        %dma_start3A_59 = tpu.memref_slice %arg7[%add3A_57, %dma_start3A_58] : memref<40x125xi32, #tpu.memory_space<vmem>> -> memref<1x125xi32, #tpu.memory_space<vmem>>
        %dma_start3A_60 = tpu.memref_squeeze %dma_start3A_59 : memref<1x125xi32, #tpu.memory_space<vmem>> -> memref<125xi32, #tpu.memory_space<vmem>>
        %dma_start3A_61 = arith.constant 0 : i32
        %dma_start3A_62 = arith.constant 0 : i32
        %dma_start3A_63 = tpu.memref_slice %arg2[%dma_start3A_61, %dma_start3A_62] : memref<10000x128xf32, #tpu.memory_space<hbm>> -> memref<10000x128xf32, #tpu.memory_space<hbm>>
        tpu.enqueue_indirect_dma source(%dma_start3A_63 : memref<10000x128xf32, #tpu.memory_space<hbm>>) target(%arg9 : memref<125x128xf32, #tpu.memory_space<vmem>>) offsets(%dma_start3A_60 : memref<125xi32, #tpu.memory_space<vmem>>) semaphore(%arg12 : memref<!tpu.dma_semaphore, #tpu.memory_space<semaphore_mem>>)
      } else {
      }
      %add3A_48 = arith.constant 1 : i32
      %add3A_49 = arith.addi %mul3A_30, %add3A_48 : i32
      %dma_wait3A_50 = arith.constant 0 : i32
      %dma_wait3A_51 = tpu.memref_slice %arg7[%add3A_49, %dma_wait3A_50] : memref<40x125xi32, #tpu.memory_space<vmem>> -> memref<1x125xi32, #tpu.memory_space<vmem>>
      %dma_wait3A_52 = tpu.memref_squeeze %dma_wait3A_51 : memref<1x125xi32, #tpu.memory_space<vmem>> -> memref<125xi32, #tpu.memory_space<vmem>>
      %dma_wait3A_53 = arith.constant 0 : i32
      %dma_wait3A_54 = arith.constant 0 : i32
      %dma_wait3A_55 = tpu.memref_slice %arg2[%dma_wait3A_53, %dma_wait3A_54] : memref<10000x128xf32, #tpu.memory_space<hbm>> -> memref<10000x128xf32, #tpu.memory_space<hbm>>
      tpu.wait_indirect_dma semaphore(%arg13 : memref<!tpu.dma_semaphore, #tpu.memory_space<semaphore_mem>>) src(%dma_wait3A_55 : memref<10000x128xf32, #tpu.memory_space<hbm>>) dst(%arg10 : memref<125x128xf32, #tpu.memory_space<vmem>>)
      "tpu.region"() ({
        %run_scoped3A = tpu.sem_alloc : memref<!tpu.dma_semaphore, #tpu.memory_space<semaphore_mem>>
        %dma_start3A_56 = arith.constant 0 : i32
        %dma_start3A_57 = tpu.memref_slice %arg8[%add3A_49, %dma_start3A_56] : memref<40x125xi32, #tpu.memory_space<vmem>> -> memref<1x125xi32, #tpu.memory_space<vmem>>
        %dma_start3A_58 = tpu.memref_squeeze %dma_start3A_57 : memref<1x125xi32, #tpu.memory_space<vmem>> -> memref<125xi32, #tpu.memory_space<vmem>>
        %dma_start3A_59 = arith.constant 0 : i32
        %dma_start3A_60 = arith.constant 0 : i32
        %dma_start3A_61 = tpu.memref_slice %arg11[%dma_start3A_59, %dma_start3A_60] : memref<10240x128xf32, #tpu.memory_space<vmem_shared>> -> memref<10240x128xf32, #tpu.memory_space<vmem_shared>>
        tpu.enqueue_indirect_dma source(%arg10 : memref<125x128xf32, #tpu.memory_space<vmem>>) target(%dma_start3A_61 : memref<10240x128xf32, #tpu.memory_space<vmem_shared>>) offsets(%dma_start3A_58 : memref<125xi32, #tpu.memory_space<vmem>>) semaphore(%run_scoped3A : memref<!tpu.dma_semaphore, #tpu.memory_space<semaphore_mem>>) {add = true}
        %dma_wait3A_62 = arith.constant 0 : i32
        %dma_wait3A_63 = tpu.memref_slice %arg8[%add3A_49, %dma_wait3A_62] : memref<40x125xi32, #tpu.memory_space<vmem>> -> memref<1x125xi32, #tpu.memory_space<vmem>>
        %dma_wait3A_64 = tpu.memref_squeeze %dma_wait3A_63 : memref<1x125xi32, #tpu.memory_space<vmem>> -> memref<125xi32, #tpu.memory_space<vmem>>
        %dma_wait3A_65 = arith.constant 0 : i32
        %dma_wait3A_66 = arith.constant 0 : i32
        %dma_wait3A_67 = tpu.memref_slice %arg11[%dma_wait3A_65, %dma_wait3A_66] : memref<10240x128xf32, #tpu.memory_space<vmem_shared>> -> memref<10240x128xf32, #tpu.memory_space<vmem_shared>>
        tpu.wait_indirect_dma semaphore(%run_scoped3A : memref<!tpu.dma_semaphore, #tpu.memory_space<semaphore_mem>>) src(%arg10 : memref<125x128xf32, #tpu.memory_space<vmem>>) dst(%dma_wait3A_67 : memref<10240x128xf32, #tpu.memory_space<vmem_shared>>)
        tpu.yield
      }) : () -> ()
    }
    %scan3A_13 = arith.constant 20 : i32
    "tpu.region"() ({
      %run_scoped3A = tpu.sem_alloc : memref<!tpu.dma_semaphore, #tpu.memory_space<semaphore_mem>>
      %dma_start3A_28 = arith.constant 40 : i32
      %dma_start3A_29 = arith.constant 0 : i32
      %dma_start3A_30 = tpu.memref_slice %arg3[%add3A, %dma_start3A_28, %dma_start3A_29] : memref<32x80x125xi32, #tpu.memory_space<hbm>> -> memref<1x40x125xi32, #tpu.memory_space<hbm>>
      %dma_start3A_31 = tpu.memref_squeeze %dma_start3A_30 : memref<1x40x125xi32, #tpu.memory_space<hbm>> -> memref<40x125xi32, #tpu.memory_space<hbm>>
      %dma_start3A_32 = arith.constant 40 : i32
      %dma_start3A_33 = arith.constant 0 : i32
      %dma_start3A_34 = tpu.memref_slice %arg3[%add3A, %dma_start3A_32, %dma_start3A_33] : memref<32x80x125xi32, #tpu.memory_space<hbm>> -> memref<1x40x125xi32, #tpu.memory_space<hbm>>
      %dma_start3A_35 = tpu.memref_squeeze %dma_start3A_34 : memref<1x40x125xi32, #tpu.memory_space<hbm>> -> memref<40x125xi32, #tpu.memory_space<hbm>>
      tpu.enqueue_dma source(%dma_start3A_35 : memref<40x125xi32, #tpu.memory_space<hbm>>) target(%arg7 : memref<40x125xi32, #tpu.memory_space<vmem>>) target_semaphore(%run_scoped3A : memref<!tpu.dma_semaphore, #tpu.memory_space<semaphore_mem>>)
      %dma_wait3A = arith.constant 40 : i32
      %dma_wait3A_36 = arith.constant 0 : i32
      %dma_wait3A_37 = tpu.memref_slice %arg3[%add3A, %dma_wait3A, %dma_wait3A_36] : memref<32x80x125xi32, #tpu.memory_space<hbm>> -> memref<1x40x125xi32, #tpu.memory_space<hbm>>
      %dma_wait3A_38 = tpu.memref_squeeze %dma_wait3A_37 : memref<1x40x125xi32, #tpu.memory_space<hbm>> -> memref<40x125xi32, #tpu.memory_space<hbm>>
      %dma_wait3A_39 = arith.constant 40 : i32
      %dma_wait3A_40 = arith.constant 0 : i32
      %dma_wait3A_41 = tpu.memref_slice %arg3[%add3A, %dma_wait3A_39, %dma_wait3A_40] : memref<32x80x125xi32, #tpu.memory_space<hbm>> -> memref<1x40x125xi32, #tpu.memory_space<hbm>>
      %dma_wait3A_42 = tpu.memref_squeeze %dma_wait3A_41 : memref<1x40x125xi32, #tpu.memory_space<hbm>> -> memref<40x125xi32, #tpu.memory_space<hbm>>
      tpu.wait_dma2 semaphore(%run_scoped3A : memref<!tpu.dma_semaphore, #tpu.memory_space<semaphore_mem>>) src(%dma_wait3A_42 : memref<40x125xi32, #tpu.memory_space<hbm>>) dst(%arg7 : memref<40x125xi32, #tpu.memory_space<vmem>>)
      tpu.yield
    }) : () -> ()
    "tpu.region"() ({
      %run_scoped3A = tpu.sem_alloc : memref<!tpu.dma_semaphore, #tpu.memory_space<semaphore_mem>>
      %dma_start3A_28 = arith.constant 40 : i32
      %dma_start3A_29 = arith.constant 0 : i32
      %dma_start3A_30 = tpu.memref_slice %arg4[%add3A, %dma_start3A_28, %dma_start3A_29] : memref<32x80x125xi32, #tpu.memory_space<hbm>> -> memref<1x40x125xi32, #tpu.memory_space<hbm>>
      %dma_start3A_31 = tpu.memref_squeeze %dma_start3A_30 : memref<1x40x125xi32, #tpu.memory_space<hbm>> -> memref<40x125xi32, #tpu.memory_space<hbm>>
      %dma_start3A_32 = arith.constant 40 : i32
      %dma_start3A_33 = arith.constant 0 : i32
      %dma_start3A_34 = tpu.memref_slice %arg4[%add3A, %dma_start3A_32, %dma_start3A_33] : memref<32x80x125xi32, #tpu.memory_space<hbm>> -> memref<1x40x125xi32, #tpu.memory_space<hbm>>
      %dma_start3A_35 = tpu.memref_squeeze %dma_start3A_34 : memref<1x40x125xi32, #tpu.memory_space<hbm>> -> memref<40x125xi32, #tpu.memory_space<hbm>>
      tpu.enqueue_dma source(%dma_start3A_35 : memref<40x125xi32, #tpu.memory_space<hbm>>) target(%arg8 : memref<40x125xi32, #tpu.memory_space<vmem>>) target_semaphore(%run_scoped3A : memref<!tpu.dma_semaphore, #tpu.memory_space<semaphore_mem>>)
      %dma_wait3A = arith.constant 40 : i32
      %dma_wait3A_36 = arith.constant 0 : i32
      %dma_wait3A_37 = tpu.memref_slice %arg4[%add3A, %dma_wait3A, %dma_wait3A_36] : memref<32x80x125xi32, #tpu.memory_space<hbm>> -> memref<1x40x125xi32, #tpu.memory_space<hbm>>
      %dma_wait3A_38 = tpu.memref_squeeze %dma_wait3A_37 : memref<1x40x125xi32, #tpu.memory_space<hbm>> -> memref<40x125xi32, #tpu.memory_space<hbm>>
      %dma_wait3A_39 = arith.constant 40 : i32
      %dma_wait3A_40 = arith.constant 0 : i32
      %dma_wait3A_41 = tpu.memref_slice %arg4[%add3A, %dma_wait3A_39, %dma_wait3A_40] : memref<32x80x125xi32, #tpu.memory_space<hbm>> -> memref<1x40x125xi32, #tpu.memory_space<hbm>>
      %dma_wait3A_42 = tpu.memref_squeeze %dma_wait3A_41 : memref<1x40x125xi32, #tpu.memory_space<hbm>> -> memref<40x125xi32, #tpu.memory_space<hbm>>
      tpu.wait_dma2 semaphore(%run_scoped3A : memref<!tpu.dma_semaphore, #tpu.memory_space<semaphore_mem>>) src(%dma_wait3A_42 : memref<40x125xi32, #tpu.memory_space<hbm>>) dst(%arg8 : memref<40x125xi32, #tpu.memory_space<vmem>>)
      tpu.yield
    }) : () -> ()
    %dma_start3A_14 = arith.constant 0 : i32
    %dma_start3A_15 = arith.constant 0 : i32
    %dma_start3A_16 = tpu.memref_slice %arg7[%dma_start3A_14, %dma_start3A_15] : memref<40x125xi32, #tpu.memory_space<vmem>> -> memref<1x125xi32, #tpu.memory_space<vmem>>
    %dma_start3A_17 = tpu.memref_squeeze %dma_start3A_16 : memref<1x125xi32, #tpu.memory_space<vmem>> -> memref<125xi32, #tpu.memory_space<vmem>>
    %dma_start3A_18 = arith.constant 0 : i32
    %dma_start3A_19 = arith.constant 0 : i32
    %dma_start3A_20 = tpu.memref_slice %arg2[%dma_start3A_18, %dma_start3A_19] : memref<10000x128xf32, #tpu.memory_space<hbm>> -> memref<10000x128xf32, #tpu.memory_space<hbm>>
    tpu.enqueue_indirect_dma source(%dma_start3A_20 : memref<10000x128xf32, #tpu.memory_space<hbm>>) target(%arg9 : memref<125x128xf32, #tpu.memory_space<vmem>>) offsets(%dma_start3A_17 : memref<125xi32, #tpu.memory_space<vmem>>) semaphore(%arg12 : memref<!tpu.dma_semaphore, #tpu.memory_space<semaphore_mem>>)
    %scan3A_21 = arith.constant 0 : i32
    %scan3A_22 = arith.constant 0 : i32
    %scan3A_23 = arith.constant 20 : i32
    %scan3A_24 = arith.addi %scan3A_22, %scan3A_23 : i32
    %scan3A_25 = arith.constant 1 : i32
    scf.for %scan3A_28 = %scan3A_22 to %scan3A_24 step %scan3A_25  : i32 {
      %mul3A_29 = arith.constant 2 : i32
      %mul3A_30 = arith.muli %scan3A_28, %mul3A_29 : i32
      %add3A_31 = arith.constant 1 : i32
      %add3A_32 = arith.addi %mul3A_30, %add3A_31 : i32
      %dma_start3A_33 = arith.constant 0 : i32
      %dma_start3A_34 = tpu.memref_slice %arg7[%add3A_32, %dma_start3A_33] : memref<40x125xi32, #tpu.memory_space<vmem>> -> memref<1x125xi32, #tpu.memory_space<vmem>>
      %dma_start3A_35 = tpu.memref_squeeze %dma_start3A_34 : memref<1x125xi32, #tpu.memory_space<vmem>> -> memref<125xi32, #tpu.memory_space<vmem>>
      %dma_start3A_36 = arith.constant 0 : i32
      %dma_start3A_37 = arith.constant 0 : i32
      %dma_start3A_38 = tpu.memref_slice %arg2[%dma_start3A_36, %dma_start3A_37] : memref<10000x128xf32, #tpu.memory_space<hbm>> -> memref<10000x128xf32, #tpu.memory_space<hbm>>
      tpu.enqueue_indirect_dma source(%dma_start3A_38 : memref<10000x128xf32, #tpu.memory_space<hbm>>) target(%arg10 : memref<125x128xf32, #tpu.memory_space<vmem>>) offsets(%dma_start3A_35 : memref<125xi32, #tpu.memory_space<vmem>>) semaphore(%arg13 : memref<!tpu.dma_semaphore, #tpu.memory_space<semaphore_mem>>)
      %dma_wait3A = arith.constant 0 : i32
      %dma_wait3A_39 = tpu.memref_slice %arg7[%mul3A_30, %dma_wait3A] : memref<40x125xi32, #tpu.memory_space<vmem>> -> memref<1x125xi32, #tpu.memory_space<vmem>>
      %dma_wait3A_40 = tpu.memref_squeeze %dma_wait3A_39 : memref<1x125xi32, #tpu.memory_space<vmem>> -> memref<125xi32, #tpu.memory_space<vmem>>
      %dma_wait3A_41 = arith.constant 0 : i32
      %dma_wait3A_42 = arith.constant 0 : i32
      %dma_wait3A_43 = tpu.memref_slice %arg2[%dma_wait3A_41, %dma_wait3A_42] : memref<10000x128xf32, #tpu.memory_space<hbm>> -> memref<10000x128xf32, #tpu.memory_space<hbm>>
      tpu.wait_indirect_dma semaphore(%arg12 : memref<!tpu.dma_semaphore, #tpu.memory_space<semaphore_mem>>) src(%dma_wait3A_43 : memref<10000x128xf32, #tpu.memory_space<hbm>>) dst(%arg9 : memref<125x128xf32, #tpu.memory_space<vmem>>)
      "tpu.region"() ({
        %run_scoped3A = tpu.sem_alloc : memref<!tpu.dma_semaphore, #tpu.memory_space<semaphore_mem>>
        %dma_start3A_56 = arith.constant 0 : i32
        %dma_start3A_57 = tpu.memref_slice %arg8[%mul3A_30, %dma_start3A_56] : memref<40x125xi32, #tpu.memory_space<vmem>> -> memref<1x125xi32, #tpu.memory_space<vmem>>
        %dma_start3A_58 = tpu.memref_squeeze %dma_start3A_57 : memref<1x125xi32, #tpu.memory_space<vmem>> -> memref<125xi32, #tpu.memory_space<vmem>>
        %dma_start3A_59 = arith.constant 0 : i32
        %dma_start3A_60 = arith.constant 0 : i32
        %dma_start3A_61 = tpu.memref_slice %arg11[%dma_start3A_59, %dma_start3A_60] : memref<10240x128xf32, #tpu.memory_space<vmem_shared>> -> memref<10240x128xf32, #tpu.memory_space<vmem_shared>>
        tpu.enqueue_indirect_dma source(%arg9 : memref<125x128xf32, #tpu.memory_space<vmem>>) target(%dma_start3A_61 : memref<10240x128xf32, #tpu.memory_space<vmem_shared>>) offsets(%dma_start3A_58 : memref<125xi32, #tpu.memory_space<vmem>>) semaphore(%run_scoped3A : memref<!tpu.dma_semaphore, #tpu.memory_space<semaphore_mem>>) {add = true}
        %dma_wait3A_62 = arith.constant 0 : i32
        %dma_wait3A_63 = tpu.memref_slice %arg8[%mul3A_30, %dma_wait3A_62] : memref<40x125xi32, #tpu.memory_space<vmem>> -> memref<1x125xi32, #tpu.memory_space<vmem>>
        %dma_wait3A_64 = tpu.memref_squeeze %dma_wait3A_63 : memref<1x125xi32, #tpu.memory_space<vmem>> -> memref<125xi32, #tpu.memory_space<vmem>>
        %dma_wait3A_65 = arith.constant 0 : i32
        %dma_wait3A_66 = arith.constant 0 : i32
        %dma_wait3A_67 = tpu.memref_slice %arg11[%dma_wait3A_65, %dma_wait3A_66] : memref<10240x128xf32, #tpu.memory_space<vmem_shared>> -> memref<10240x128xf32, #tpu.memory_space<vmem_shared>>
        tpu.wait_indirect_dma semaphore(%run_scoped3A : memref<!tpu.dma_semaphore, #tpu.memory_space<semaphore_mem>>) src(%arg9 : memref<125x128xf32, #tpu.memory_space<vmem>>) dst(%dma_wait3A_67 : memref<10240x128xf32, #tpu.memory_space<vmem_shared>>)
        tpu.yield
      }) : () -> ()
      %add3A_44 = arith.constant 2 : i32
      %add3A_45 = arith.addi %mul3A_30, %add3A_44 : i32
      %lt3A = arith.constant 40 : i32
      %lt3A_46 = arith.cmpi slt, %add3A_45, %lt3A : i32
      %convert_element_type3A = arith.extui %lt3A_46 : i1 to i32
      %cond3A = arith.constant 0 : i32
      %cond3A_47 = arith.cmpi ne, %convert_element_type3A, %cond3A : i32
      scf.if %cond3A_47 {
        %add3A_56 = arith.constant 2 : i32
        %add3A_57 = arith.addi %mul3A_30, %add3A_56 : i32
        %dma_start3A_58 = arith.constant 0 : i32
        %dma_start3A_59 = tpu.memref_slice %arg7[%add3A_57, %dma_start3A_58] : memref<40x125xi32, #tpu.memory_space<vmem>> -> memref<1x125xi32, #tpu.memory_space<vmem>>
        %dma_start3A_60 = tpu.memref_squeeze %dma_start3A_59 : memref<1x125xi32, #tpu.memory_space<vmem>> -> memref<125xi32, #tpu.memory_space<vmem>>
        %dma_start3A_61 = arith.constant 0 : i32
        %dma_start3A_62 = arith.constant 0 : i32
        %dma_start3A_63 = tpu.memref_slice %arg2[%dma_start3A_61, %dma_start3A_62] : memref<10000x128xf32, #tpu.memory_space<hbm>> -> memref<10000x128xf32, #tpu.memory_space<hbm>>
        tpu.enqueue_indirect_dma source(%dma_start3A_63 : memref<10000x128xf32, #tpu.memory_space<hbm>>) target(%arg9 : memref<125x128xf32, #tpu.memory_space<vmem>>) offsets(%dma_start3A_60 : memref<125xi32, #tpu.memory_space<vmem>>) semaphore(%arg12 : memref<!tpu.dma_semaphore, #tpu.memory_space<semaphore_mem>>)
      } else {
      }
      %add3A_48 = arith.constant 1 : i32
      %add3A_49 = arith.addi %mul3A_30, %add3A_48 : i32
      %dma_wait3A_50 = arith.constant 0 : i32
      %dma_wait3A_51 = tpu.memref_slice %arg7[%add3A_49, %dma_wait3A_50] : memref<40x125xi32, #tpu.memory_space<vmem>> -> memref<1x125xi32, #tpu.memory_space<vmem>>
      %dma_wait3A_52 = tpu.memref_squeeze %dma_wait3A_51 : memref<1x125xi32, #tpu.memory_space<vmem>> -> memref<125xi32, #tpu.memory_space<vmem>>
      %dma_wait3A_53 = arith.constant 0 : i32
      %dma_wait3A_54 = arith.constant 0 : i32
      %dma_wait3A_55 = tpu.memref_slice %arg2[%dma_wait3A_53, %dma_wait3A_54] : memref<10000x128xf32, #tpu.memory_space<hbm>> -> memref<10000x128xf32, #tpu.memory_space<hbm>>
      tpu.wait_indirect_dma semaphore(%arg13 : memref<!tpu.dma_semaphore, #tpu.memory_space<semaphore_mem>>) src(%dma_wait3A_55 : memref<10000x128xf32, #tpu.memory_space<hbm>>) dst(%arg10 : memref<125x128xf32, #tpu.memory_space<vmem>>)
      "tpu.region"() ({
        %run_scoped3A = tpu.sem_alloc : memref<!tpu.dma_semaphore, #tpu.memory_space<semaphore_mem>>
        %dma_start3A_56 = arith.constant 0 : i32
        %dma_start3A_57 = tpu.memref_slice %arg8[%add3A_49, %dma_start3A_56] : memref<40x125xi32, #tpu.memory_space<vmem>> -> memref<1x125xi32, #tpu.memory_space<vmem>>
        %dma_start3A_58 = tpu.memref_squeeze %dma_start3A_57 : memref<1x125xi32, #tpu.memory_space<vmem>> -> memref<125xi32, #tpu.memory_space<vmem>>
        %dma_start3A_59 = arith.constant 0 : i32
        %dma_start3A_60 = arith.constant 0 : i32
        %dma_start3A_61 = tpu.memref_slice %arg11[%dma_start3A_59, %dma_start3A_60] : memref<10240x128xf32, #tpu.memory_space<vmem_shared>> -> memref<10240x128xf32, #tpu.memory_space<vmem_shared>>
        tpu.enqueue_indirect_dma source(%arg10 : memref<125x128xf32, #tpu.memory_space<vmem>>) target(%dma_start3A_61 : memref<10240x128xf32, #tpu.memory_space<vmem_shared>>) offsets(%dma_start3A_58 : memref<125xi32, #tpu.memory_space<vmem>>) semaphore(%run_scoped3A : memref<!tpu.dma_semaphore, #tpu.memory_space<semaphore_mem>>) {add = true}
        %dma_wait3A_62 = arith.constant 0 : i32
        %dma_wait3A_63 = tpu.memref_slice %arg8[%add3A_49, %dma_wait3A_62] : memref<40x125xi32, #tpu.memory_space<vmem>> -> memref<1x125xi32, #tpu.memory_space<vmem>>
        %dma_wait3A_64 = tpu.memref_squeeze %dma_wait3A_63 : memref<1x125xi32, #tpu.memory_space<vmem>> -> memref<125xi32, #tpu.memory_space<vmem>>
        %dma_wait3A_65 = arith.constant 0 : i32
        %dma_wait3A_66 = arith.constant 0 : i32
        %dma_wait3A_67 = tpu.memref_slice %arg11[%dma_wait3A_65, %dma_wait3A_66] : memref<10240x128xf32, #tpu.memory_space<vmem_shared>> -> memref<10240x128xf32, #tpu.memory_space<vmem_shared>>
        tpu.wait_indirect_dma semaphore(%run_scoped3A : memref<!tpu.dma_semaphore, #tpu.memory_space<semaphore_mem>>) src(%arg10 : memref<125x128xf32, #tpu.memory_space<vmem>>) dst(%dma_wait3A_67 : memref<10240x128xf32, #tpu.memory_space<vmem_shared>>)
        tpu.yield
      }) : () -> ()
    }
    %scan3A_26 = arith.constant 20 : i32
    %barrier3A_27 = arith.constant 0 : index
    tpu.barrier barrier_id(%barrier3A_27)
    "tpu.region"() ({
      %run_scoped3A = tpu.sem_alloc : memref<!tpu.dma_semaphore, #tpu.memory_space<semaphore_mem>>
      %dma_start3A_28 = arith.constant 0 : i32
      %dma_start3A_29 = tpu.memref_slice %arg6[%arg0, %mul3A_2, %dma_start3A_28] : memref<2x10240x128xf32, #tpu.memory_space<hbm>> -> memref<1x640x128xf32, #tpu.memory_space<hbm>>
      %dma_start3A_30 = tpu.memref_squeeze %dma_start3A_29 : memref<1x640x128xf32, #tpu.memory_space<hbm>> -> memref<640x128xf32, #tpu.memory_space<hbm>>
      %dma_start3A_31 = arith.constant 0 : i32
      %dma_start3A_32 = tpu.memref_slice %arg11[%mul3A_2, %dma_start3A_31] : memref<10240x128xf32, #tpu.memory_space<vmem_shared>> -> memref<640x128xf32, #tpu.memory_space<vmem_shared>>
      tpu.enqueue_dma source(%dma_start3A_32 : memref<640x128xf32, #tpu.memory_space<vmem_shared>>) target(%dma_start3A_30 : memref<640x128xf32, #tpu.memory_space<hbm>>) target_semaphore(%run_scoped3A : memref<!tpu.dma_semaphore, #tpu.memory_space<semaphore_mem>>)
      %dma_wait3A = arith.constant 0 : i32
      %dma_wait3A_33 = tpu.memref_slice %arg6[%arg0, %mul3A_2, %dma_wait3A] : memref<2x10240x128xf32, #tpu.memory_space<hbm>> -> memref<1x640x128xf32, #tpu.memory_space<hbm>>
      %dma_wait3A_34 = tpu.memref_squeeze %dma_wait3A_33 : memref<1x640x128xf32, #tpu.memory_space<hbm>> -> memref<640x128xf32, #tpu.memory_space<hbm>>
      %dma_wait3A_35 = arith.constant 0 : i32
      %dma_wait3A_36 = tpu.memref_slice %arg11[%mul3A_2, %dma_wait3A_35] : memref<10240x128xf32, #tpu.memory_space<vmem_shared>> -> memref<640x128xf32, #tpu.memory_space<vmem_shared>>
      tpu.wait_dma2 semaphore(%run_scoped3A : memref<!tpu.dma_semaphore, #tpu.memory_space<semaphore_mem>>) src(%dma_wait3A_36 : memref<640x128xf32, #tpu.memory_space<vmem_shared>>) dst(%dma_wait3A_34 : memref<640x128xf32, #tpu.memory_space<hbm>>)
      tpu.yield
    }) : () -> ()
    return
  }
}

module attributes {stable_mosaic.version = 14 : i64} {
  func.func @_mm_body(%arg0: i32, %arg1: memref<2x10240xf32, #tpu.memory_space<vmem>>, %arg2: memref<256x128xf32, #tpu.memory_space<vmem>>, %arg3: memref<128x128xf32, #tpu.memory_space<vmem>>, %arg4: memref<256x128xf32, #tpu.memory_space<vmem>>) attributes {dimension_semantics = [#tpu.dimension_semantics<arbitrary>], iteration_bounds = array<i64: 40>, scalar_prefetch = 0 : i64, scratch_operands = 0 : i64, tpu.core_type = #tpu.core_type<tc>, window_params = [{pipeline_mode = #tpu.pipeline_mode<synchronous>, transform_indices = @transform_0, window_bounds = array<i64: 2, 10240>}, {transform_indices = @transform_1, window_bounds = array<i64: 256, 128>}, {pipeline_mode = #tpu.pipeline_mode<synchronous>, transform_indices = @transform_2, window_bounds = array<i64: 128, 128>}, {transform_indices = @transform_3, window_bounds = array<i64: 256, 128>}]} {
    %mul3A = arith.constant 256 : i32
    %mul3A_0 = arith.muli %arg0, %mul3A : i32
    %get3A = arith.constant 0 : index
    %get3A_1 = arith.index_cast %mul3A_0 : i32 to index
    %get3A_2 = vector.load %arg1[%get3A, %get3A_1] : memref<2x10240xf32, #tpu.memory_space<vmem>>, vector<1x256xf32>
    %get3A_3 = vector.shape_cast %get3A_2 : vector<1x256xf32> to vector<256xf32>
    %get3A_4 = arith.constant 1 : index
    %get3A_5 = arith.index_cast %mul3A_0 : i32 to index
    %get3A_6 = vector.load %arg1[%get3A_4, %get3A_5] : memref<2x10240xf32, #tpu.memory_space<vmem>>, vector<1x256xf32>
    %get3A_7 = vector.shape_cast %get3A_6 : vector<1x256xf32> to vector<256xf32>
    %add3A = arith.addf %get3A_3, %get3A_7 : vector<256xf32>
    %add3A_8 = arith.constant 1.000000e+00 : f32
    %add3A_9 = vector.broadcast %add3A_8 : f32 to vector<256xf32>
    %add3A_10 = arith.addf %add3A, %add3A_9 : vector<256xf32>
    %max3A = arith.constant 9.99999996E-13 : f32
    %max3A_11 = vector.broadcast %max3A : f32 to vector<256xf32>
    %max3A_12 = arith.maximumf %add3A_10, %max3A_11 : vector<256xf32>
    %rsqrt3A = math.rsqrt %max3A_12 : vector<256xf32>
    %get3A_13 = arith.constant 0 : index
    %get3A_14 = arith.constant 0 : index
    %get3A_15 = vector.load %arg2[%get3A_13, %get3A_14] : memref<256x128xf32, #tpu.memory_space<vmem>>, vector<256x128xf32>
    %get3A_16 = arith.constant 0 : index
    %get3A_17 = arith.constant 0 : index
    %get3A_18 = vector.load %arg3[%get3A_16, %get3A_17] : memref<128x128xf32, #tpu.memory_space<vmem>>, vector<128x128xf32>
    %dot_general3A = arith.constant dense<0.000000e+00> : vector<256x128xf32>
    %dot_general3A_19 = tpu.matmul %get3A_15, %get3A_18, %dot_general3A {dimension_numbers = #tpu.dot_dimension_numbers<[1], [0], [0], [1], [0, 0, 1, 1], [], []>, transpose_lhs_hint = false} : vector<256x128xf32>, vector<128x128xf32>, vector<256x128xf32> -> vector<256x128xf32>
    %broadcast_in_dim3A = vector.shape_cast %rsqrt3A : vector<256xf32> to vector<256x1xf32>
    %mul3A_20 = vector.broadcast %broadcast_in_dim3A : vector<256x1xf32> to vector<256x128xf32>
    %mul3A_21 = arith.mulf %dot_general3A_19, %mul3A_20 : vector<256x128xf32>
    %swap3A = arith.constant 0 : index
    %swap3A_22 = arith.constant 0 : index
    %swap3A_23 = vector.load %arg4[%swap3A, %swap3A_22] : memref<256x128xf32, #tpu.memory_space<vmem>>, vector<256x128xf32>
    tpu.vector_store %arg4[%swap3A, %swap3A_22], %mul3A_21 {strides = array<i32>} : memref<256x128xf32, #tpu.memory_space<vmem>>, vector<256x128xf32>,
    return
  }
  func.func @transform_0(%arg0: i32) -> (i32, i32) {
    %c0_i32 = arith.constant 0 : i32
    %c0_i32_0 = arith.constant 0 : i32
    %c0_i32_1 = arith.constant 0 : i32
    return %c0_i32, %c0_i32_0 : i32, i32
  }
  func.func @transform_1(%arg0: i32) -> (i32, i32) {
    %c0_i32 = arith.constant 0 : i32
    %c0_i32_0 = arith.constant 0 : i32
    return %arg0, %c0_i32 : i32, i32
  }
  func.func @transform_2(%arg0: i32) -> (i32, i32) {
    %c0_i32 = arith.constant 0 : i32
    %c0_i32_0 = arith.constant 0 : i32
    %c0_i32_1 = arith.constant 0 : i32
    return %c0_i32, %c0_i32_0 : i32, i32
  }
  func.func @transform_3(%arg0: i32) -> (i32, i32) {
    %c0_i32 = arith.constant 0 : i32
    %c0_i32_0 = arith.constant 0 : i32
    return %arg0, %c0_i32 : i32, i32
  }
}

module attributes {stable_mosaic.version = 14 : i64} {
  func.func @_fin_body(%arg0: i32, %arg1: memref<1xf32, #tpu.memory_space<smem>>, %arg2: memref<2x10240xf32, #tpu.memory_space<vmem>>, %arg3: memref<2x256x128xf32, #tpu.memory_space<vmem>>, %arg4: memref<256x128xf32, #tpu.memory_space<vmem>>, %arg5: memref<1x128xf32, #tpu.memory_space<vmem>>, %arg6: memref<256x128xf32, #tpu.memory_space<vmem>>) attributes {dimension_semantics = [#tpu.dimension_semantics<arbitrary>], iteration_bounds = array<i64: 40>, scalar_prefetch = 0 : i64, scratch_operands = 0 : i64, tpu.core_type = #tpu.core_type<tc>, window_params = [{transform_indices = @transform_0, window_bounds = array<i64: 1>}, {pipeline_mode = #tpu.pipeline_mode<synchronous>, transform_indices = @transform_1, window_bounds = array<i64: 2, 10240>}, {transform_indices = @transform_2, window_bounds = array<i64: 2, 256, 128>}, {transform_indices = @transform_3, window_bounds = array<i64: 256, 128>}, {pipeline_mode = #tpu.pipeline_mode<synchronous>, transform_indices = @transform_4, window_bounds = array<i64: 1, 128>}, {transform_indices = @transform_5, window_bounds = array<i64: 256, 128>}]} {
    %mul3A = arith.constant 256 : i32
    %mul3A_0 = arith.muli %arg0, %mul3A : i32
    %get3A = arith.constant 0 : index
    %get3A_1 = arith.index_cast %mul3A_0 : i32 to index
    %get3A_2 = vector.load %arg2[%get3A, %get3A_1] : memref<2x10240xf32, #tpu.memory_space<vmem>>, vector<1x256xf32>
    %get3A_3 = vector.shape_cast %get3A_2 : vector<1x256xf32> to vector<256xf32>
    %get3A_4 = arith.constant 1 : index
    %get3A_5 = arith.index_cast %mul3A_0 : i32 to index
    %get3A_6 = vector.load %arg2[%get3A_4, %get3A_5] : memref<2x10240xf32, #tpu.memory_space<vmem>>, vector<1x256xf32>
    %get3A_7 = vector.shape_cast %get3A_6 : vector<1x256xf32> to vector<256xf32>
    %add3A = arith.addf %get3A_3, %get3A_7 : vector<256xf32>
    %add3A_8 = arith.constant 1.000000e+00 : f32
    %add3A_9 = vector.broadcast %add3A_8 : f32 to vector<256xf32>
    %add3A_10 = arith.addf %add3A, %add3A_9 : vector<256xf32>
    %max3A = arith.constant 9.99999996E-13 : f32
    %max3A_11 = vector.broadcast %max3A : f32 to vector<256xf32>
    %max3A_12 = arith.maximumf %add3A_10, %max3A_11 : vector<256xf32>
    %rsqrt3A = math.rsqrt %max3A_12 : vector<256xf32>
    %get3A_13 = arith.constant 0 : index
    %get3A_14 = arith.constant 0 : index
    %get3A_15 = arith.constant 0 : index
    %get3A_16 = vector.load %arg3[%get3A_13, %get3A_14, %get3A_15] : memref<2x256x128xf32, #tpu.memory_space<vmem>>, vector<1x256x128xf32>
    %get3A_17 = vector.shape_cast %get3A_16 : vector<1x256x128xf32> to vector<256x128xf32>
    %get3A_18 = arith.constant 1 : index
    %get3A_19 = arith.constant 0 : index
    %get3A_20 = arith.constant 0 : index
    %get3A_21 = vector.load %arg3[%get3A_18, %get3A_19, %get3A_20] : memref<2x256x128xf32, #tpu.memory_space<vmem>>, vector<1x256x128xf32>
    %get3A_22 = vector.shape_cast %get3A_21 : vector<1x256x128xf32> to vector<256x128xf32>
    %add3A_23 = arith.addf %get3A_17, %get3A_22 : vector<256x128xf32>
    %get3A_24 = arith.constant 0 : index
    %get3A_25 = arith.constant 0 : index
    %get3A_26 = vector.load %arg4[%get3A_24, %get3A_25] : memref<256x128xf32, #tpu.memory_space<vmem>>, vector<256x128xf32>
    %add3A_27 = arith.addf %add3A_23, %get3A_26 : vector<256x128xf32>
    %broadcast_in_dim3A = vector.shape_cast %rsqrt3A : vector<256xf32> to vector<256x1xf32>
    %mul3A_28 = vector.broadcast %broadcast_in_dim3A : vector<256x1xf32> to vector<256x128xf32>
    %mul3A_29 = arith.mulf %add3A_27, %mul3A_28 : vector<256x128xf32>
    %get3A_30 = arith.constant 0 : index
    %get3A_31 = arith.constant 0 : index
    %get3A_32 = vector.load %arg5[%get3A_30, %get3A_31] : memref<1x128xf32, #tpu.memory_space<vmem>>, vector<1x128xf32>
    %add3A_33 = vector.broadcast %get3A_32 : vector<1x128xf32> to vector<256x128xf32>
    %add3A_34 = arith.addf %mul3A_29, %add3A_33 : vector<256x128xf32>
    %ge3A = arith.constant 0.000000e+00 : f32
    %ge3A_35 = vector.broadcast %ge3A : f32 to vector<256x128xf32>
    %ge3A_36 = arith.cmpf oge, %add3A_34, %ge3A_35 : vector<256x128xf32>
    %get3A_37 = arith.constant 0 : index
    %get3A_38 = memref.load %arg1[%get3A_37] : memref<1xf32, #tpu.memory_space<smem>>
    %mul3A_39 = vector.broadcast %get3A_38 : f32 to vector<256x128xf32>
    %mul3A_40 = arith.mulf %mul3A_39, %add3A_34 : vector<256x128xf32>
    %select_n3A = arith.select %ge3A_36, %add3A_34, %mul3A_40 : vector<256x128xi1>, vector<256x128xf32>
    %swap3A = arith.constant 0 : index
    %swap3A_41 = arith.constant 0 : index
    %swap3A_42 = vector.load %arg6[%swap3A, %swap3A_41] : memref<256x128xf32, #tpu.memory_space<vmem>>, vector<256x128xf32>
    tpu.vector_store %arg6[%swap3A, %swap3A_41], %select_n3A {strides = array<i32>} : memref<256x128xf32, #tpu.memory_space<vmem>>, vector<256x128xf32>,
    return
  }
  func.func @transform_0(%arg0: i32) -> i32 {
    %c0_i32 = arith.constant 0 : i32
    %c0_i32_0 = arith.constant 0 : i32
    return %c0_i32 : i32
  }
  func.func @transform_1(%arg0: i32) -> (i32, i32) {
    %c0_i32 = arith.constant 0 : i32
    %c0_i32_0 = arith.constant 0 : i32
    %c0_i32_1 = arith.constant 0 : i32
    return %c0_i32, %c0_i32_0 : i32, i32
  }
  func.func @transform_2(%arg0: i32) -> (i32, i32, i32) {
    %c0_i32 = arith.constant 0 : i32
    %c0_i32_0 = arith.constant 0 : i32
    %c0_i32_1 = arith.constant 0 : i32
    return %c0_i32, %arg0, %c0_i32_0 : i32, i32, i32
  }
  func.func @transform_3(%arg0: i32) -> (i32, i32) {
    %c0_i32 = arith.constant 0 : i32
    %c0_i32_0 = arith.constant 0 : i32
    return %arg0, %c0_i32 : i32, i32
  }
  func.func @transform_4(%arg0: i32) -> (i32, i32) {
    %c0_i32 = arith.constant 0 : i32
    %c0_i32_0 = arith.constant 0 : i32
    %c0_i32_1 = arith.constant 0 : i32
    return %c0_i32, %c0_i32_0 : i32, i32
  }
  func.func @transform_5(%arg0: i32) -> (i32, i32) {
    %c0_i32 = arith.constant 0 : i32
    %c0_i32_0 = arith.constant 0 : i32
    return %arg0, %c0_i32 : i32, i32
  }
}

</mosaic_0001>

<sc_bundles>
// kernel: kernel.6.cloned.1.call-start
scs
__scs_entry_jumppad:
0x0: {  	(pc) =	sbr.rel $0x88, $3  }
0x1: {  	(tag) =	ssettag $0x0;
	lr =	simm.s32 $0x1  }
0x2: {  	[smem:$0x3F9C] =	sst lr;
	_ =	strace $0xD0000000  }
0x3: {  	_ = 	snop  }
0x4: {  	_ = 	snop  }
0x5: {  	_ = 	snop  }
0x6: {  	_ = 	snop  }
0x7: {  	_ = 	snop  }
__scs_overlays_trampoline_lowered:
0x8: {  	[smem:$0x3FAB] =	sst s0  }
0x9: {  	[smem:$0x3FAC] =	sst s1  }
0xa: {  	[smem:$0x3FAD] =	sst s2  }
0xb: {  	[smem:$0x3FAE] =	sst s3  }
0xc: {  	[smem:$0x3FAF] =	sst s4  }
0xd: {  	[smem:$0x3FB0] =	sst s5  }
0xe: {  	[smem:$0x3FB1] =	sst s6  }
0xf: {  	[smem:$0x3FB2] =	sst s7  }
0x10: {  	[smem:$0x3FB3] =	sst s8  }
0x11: {  	[smem:$0x3FB4] =	sst s9;
	s0 =	simm.s32 @!p0 $0x0  }
0x12: {  	s1 =	sld [smem:$0x3F9A];
	s0 =	simm.s32 @p0 $0x1  }
0x13: {  	[smem:$0x3FB5] =	sst s0;
	s0 =	simm.s32 @!p1 $0x0  }
0x14: {  	s2 =	sld [smem:$0x3F99];
	s0 =	simm.s32 @p1 $0x1  }
0x15: {  	[smem:$0x3FB6] =	sst s0;
	s0 =	simm.s32 @!p2 $0x0  }
0x16: {  	s3 =	sld [smem:$0x3FDB];
	s0 =	simm.s32 @p2 $0x1  }
0x17: {  	s4 =	simm.s32 $0x1BF5;
	[smem:$0x3FB8] =	sst s0  }
0x18: {  	s0 =	sld [smem:$0x3F9B];
	_ =	swait.ge [sflag:s4], $0x0  }
0x19: {  	s7 =	sld [smem:$0x3F9C]  }
0x1a: {  	s8 =	sadd.s32 $0xFFFFE003, lr  }
0x1b: {  	s9 =	sadd.s32 $0xFFFFFEF7, lr;
	s5 =	simm.s32 $0xFFFFFFFF;
	p2 =	slt.u32 s8, $0xFFFFF086  }
0x1c: {  	p1 =	slt.u32 s9, $0xF7A;
	s5 =	simm.s32 @!p2 $0x0  }
0x1d: {  	s5 =	simm.s32 @p1 $0x1;
	p0 =	seq.s32 s7, s2  }
0x1e: {  	s7 =	smul.u32 @!p0 $0xF7A, s2;
	p2 =	seq.s32 @!p0 s5, $0x0  }
0x1f: {  	s9 =	smul.u32 $0xF7A, s1;
	s8 =	simm.s32 @!p0 $0x1BF5;
	p2 =	por !p2, p0  }
0x20: {  	[sflag:s8] =	ssyncset.s32 @!p0 $0xFFFFF086;
	s6 =	sadd.s32 @!p0 s3, s7;
	s7 =	simm.s32 @!p0 $0x108  }
0x21: {  	s3 =	sadd.s32 s3, s9;
	s6 =	sadd.s32 @!p0 $0x88, s6;
	s7 =	simm.s32 @p2 $0x1082  }
0x22: {  	[simem:s7], [sflag:s8] =	dma.local @!p0 [hbm:s6], $0xF7A  }
0x23: {  	s9 =	sor.u32 $0xD0000000, s2;
	s6 =	simm.s32 $0x108;
	_ =	swait.ge @!p0 [sflag:s8], $0x0  }
0x24: {  	s3 =	sadd.s32 $0x88, s3;
	s6 =	simm.s32 @!p1 $0x1082;
	[sflag:s4] =	ssyncset.s32 $0xFFFFF086  }
0x25: {  	[simem:s6], [sflag:s4] =	dma.local [hbm:s3], $0xF7A  }
0x26: {  	[smem:$0x3F9C] =	sst s1;
	(tag) =	ssettag s2;
	_ =	strace s9  }
0x27: {  	s1 =	sld [smem:$0x3FAC]  }
0x28: {  	s2 =	sld [smem:$0x3FAD]  }
0x29: {  	s4 =	sld [smem:$0x3FAF]  }
0x2a: {  	p0 =	seq.s32 s5, $0x0;
	s5 =	sld [smem:$0x3FB0]  }
0x2b: {  	s6 =	sld [smem:$0x3FB1]  }
0x2c: {  	s7 =	sld [smem:$0x3FB2]  }
0x2d: {  	s3 =	simm.s32 $0x108;
	s8 =	sld [smem:$0x3FB3]  }
0x2e: {  	s3 =	simm.s32 @!p0 $0x1082;
	s9 =	sld [smem:$0x3FB4]  }
0x2f: {  	lr =	sadd.s32 s0, s3;
	s0 =	sld [smem:$0x3FAB]  }
0x30: {  	s3 =	sld [smem:$0x3FAE]  }
0x31: {  	[smem:$0x3FB7] =	sst s10  }
0x32: {  	s10 =	sld [smem:$0x3FB5];
	_ =	sdelay $0x3  }
0x33: {  	p0 =	seq.s32 s10, $0x1;
	s10 =	sld [smem:$0x3FB7];
	_ =	sdelay $0x3  }
0x34: {  	[smem:$0x3FB7] =	sst s10  }
0x35: {  	s10 =	sld [smem:$0x3FB6];
	_ =	sdelay $0x3  }
0x36: {  	p1 =	seq.s32 s10, $0x1;
	s10 =	sld [smem:$0x3FB7];
	_ =	sdelay $0x3  }
0x37: {  	[smem:$0x3FB7] =	sst s10  }
0x38: {  	s10 =	sld [smem:$0x3FB8]  }
0x39: {  	_ = 	snop;
	(pc) =	sbr.ind lr, $3  }
0x3a: {  	_ = 	snop  }
0x3b: {  	_ = 	snop  }
0x3c: {  	p2 =	seq.s32 s10, $0x1;
	s10 =	sld [smem:$0x3FB7]  }
0x3d: {  	_ =	shalt  }
0x3e: {  	_ =	shalt  }
0x3f: {  	_ =	shalt  }
0x40: {  	_ =	shalt  }
0x41: {  	_ =	shalt  }
0x42: {  	_ =	shalt  }
0x43: {  	_ =	shalt  }
0x44: {  	_ =	shalt  }
0x45: {  	_ =	shalt  }
0x46: {  	_ =	shalt  }
0x47: {  	_ =	shalt  }
0x48: {  	_ =	shalt  }
0x49: {  	_ =	shalt  }
0x4a: {  	_ =	shalt  }
0x4b: {  	_ =	shalt  }
0x4c: {  	_ =	shalt  }
0x4d: {  	_ =	shalt  }
0x4e: {  	_ =	shalt  }
0x4f: {  	_ =	shalt  }
0x50: {  	_ =	shalt  }
0x51: {  	_ =	shalt  }
0x52: {  	_ =	shalt  }
0x53: {  	_ =	shalt  }
0x54: {  	_ =	shalt  }
0x55: {  	_ =	shalt  }
0x56: {  	_ =	shalt  }
0x57: {  	_ =	shalt  }
0x58: {  	_ =	shalt  }
0x59: {  	_ =	shalt  }
0x5a: {  	_ =	shalt  }
0x5b: {  	_ =	shalt  }
0x5c: {  	_ =	shalt  }
0x5d: {  	_ =	shalt  }
0x5e: {  	_ =	shalt  }
0x5f: {  	_ =	shalt  }
0x60: {  	_ =	shalt  }
0x61: {  	_ =	shalt  }
0x62: {  	_ =	shalt  }
0x63: {  	_ =	shalt  }
0x64: {  	_ =	shalt  }
0x65: {  	_ =	shalt  }
0x66: {  	_ =	shalt  }
0x67: {  	_ =	shalt  }
0x68: {  	_ =	shalt  }
0x69: {  	_ =	shalt  }
0x6a: {  	_ =	shalt  }
0x6b: {  	_ =	shalt  }
0x6c: {  	_ =	shalt  }
0x6d: {  	_ =	shalt  }
0x6e: {  	_ =	shalt  }
0x6f: {  	_ =	shalt  }
0x70: {  	_ =	shalt  }
0x71: {  	_ =	shalt  }
0x72: {  	_ =	shalt  }
0x73: {  	_ =	shalt  }
0x74: {  	_ =	shalt  }
0x75: {  	_ =	shalt  }
0x76: {  	_ =	shalt  }
0x77: {  	_ =	shalt  }
0x78: {  	_ =	shalt  }
0x79: {  	_ =	shalt  }
0x7a: {  	_ =	shalt  }
0x7b: {  	_ =	shalt  }
0x7c: {  	_ =	shalt  }
0x7d: {  	_ =	shalt  }
0x7e: {  	_ =	shalt  }
0x7f: {  	_ =	shalt  }
0x80: {  	_ =	shalt  }
0x81: {  	_ =	shalt  }
0x82: {  	_ =	shalt  }
0x83: {  	_ =	shalt  }
0x84: {  	_ =	shalt  }
0x85: {  	_ =	shalt  }
0x86: {  	_ =	shalt  }
0x87: {  	_ =	shalt  }
.Lfunc_end0:
.L_simem_size_0:
called_computation_lowered:
.L_overlay_start_0:
0x88: {  	s2 =	sld [smem:$0x3FD9]  }
0x89: {  	s3 =	sld [smem:$0x3FFE];
	_ =	sdelay $0x1  }
0x8a: {  	s1 =	srdreg.scid  }
0x8b: {  	s0 =	sand.u32 $0x1, s1  }
0x8c: {  	s17 =	sshll.u32 s0, $0xA;
	s2 =	sadd.s32 s3, s2  }
0x8d: {  	s2 =	sadd.s32 s2, s17  }
0x8e: {  	[smem:$0x3FC3] =	sst s2  }
0x8f: {  	_ = 	snop  }
0x90: {  	s2 =	sld [smem:$0x3FD0];
	(tm) =	ssettm $0x1  }
0x91: {  	s18 =	sld [smem:$0x3FFB];
	_ =	sdelay $0x3  }
0x92: {  	_ =	strace s18  }
0x93: {  	s3 =	sld [smem:$0x3FFC];
	_ =	sdelay $0x3  }
0x94: {  	_ =	strace s3  }
0x95: {  	s3 =	sld [smem:$0x3FFD];
	_ =	sdelay $0x3  }
0x96: {  	_ =	strace s3  }
0x97: {  	_ =	strace $0x8FFFFFFF  }
0x98: {  	s19 =	sld [smem:$0x3FDB];
	_ =	sdelay $0x1  }
0x99: {  	s4 =	simm.s32 $_scs_section_size  }
0x9a: {  	s5 =	simm.s32 $_size__tile_overlayer_lowered;
	s6 =	simm.s32 $_tile_overlayer_lowered  }
0x9b: {  	s22 =	simm.s32 $0x1BFF;
	s21 =	sshll.u32 s6, $0x1;
	s3 =	sadd.s32 s4, s19  }
0x9c: {  	s7 =	simm.s32 $0x0;
	s20 =	sshll.u32 s5, $0x1;
	s5 =	sadd.s32 s21, s3  }
0x9d: {  	[timem:s7], [sflag:s22] =	dma.local [hbm:s5], s20  }
0x9e: {  	_ =	swait.ge [sflag:s22], s20  }
0x9f: {  	s4 =	ssub.s32 $0x0, s20;
	[sflag:s22] =	ssyncset.done $0x0  }
0xa0: {  	[sflag:s22] =	ssyncadd.s32 s4;
	_ =	sdelay $0x1  }
0xa1: {  	s23 =	simm.s32 $0x1B8B  }
0xa2: {  	_ =	swait.ge [sflag:s23], $0x1  }
0xa3: {  	[sflag:s23] =	ssyncset.done $0x0  }
0xa4: {  	s25 =	simm.s32 $0x1B8E;
	s24 =	sld [smem:$0x3FFE];
	[sflag:s23] =	ssyncadd.s32 $0xFFFFFFFF  }
0xa5: {  	s26 =	simm.s32 $execute0_lowered;
	[smem:$0x3FD2] =	sst s25  }
0xa6: {  	s5 =	sshll.u32 s26, $0x1;
	_ =	strace $0x80000046;
	[dreg:$0x1] =	wrdreg $0xFFFFFFFF  }
0xa7: {  	s28 =	simm.s32 $_size_execute0_lowered;
	s3 =	sadd.s32 s3, s5;
	[dreg:$0x0] =	wrdreg $0x0  }
0xa8: {  	s5 =	sshll.u32 s28, $0x1;
	[dreg:$0x2] =	wrdreg s3  }
0xa9: {  	[dreg:$0x3] =	wrdreg s5  }
0xaa: {  	[dreg:$0x4] =	wrdreg $0xC0  }
0xab: {  	_ =	task [dreg:s7], $0x5FFFF  }
0xac: {  	[dreg:$0x1] =	wrdreg $0xFFFFFFFF  }
0xad: {  	[dreg:$0x0] =	wrdreg $0x60  }
0xae: {  	[dreg:$0x2] =	wrdreg s24  }
0xaf: {  	[dreg:$0x3] =	wrdreg s2  }
0xb0: {  	[dreg:$0x4] =	wrdreg $0x28800  }
0xb1: {  	[dreg:$0x5] =	wrdreg $0x9  }
0xb2: {  	_ =	task.clear_ibuf [dreg:s7], $0x6FFFF;
	_ =	strace $0x90000046  }
0xb3: {  	s29 =	simm.s32 $0x9;
	_ =	strace $0x80000048  }
0xb4: {  	_ =	swait.ge [sflag:s29], $0x1  }
0xb5: {  	[sflag:s29] =	ssyncadd.s32 $0xFFFFFFFF  }
0xb6: {  	_ =	strace $0x90000048  }
0xb7: {  	_ =	sfence  }
0xb8: {  	s30 =	sld [smem:$0x0];
	_ =	sdelay $0x2  }
0xb9: {  	s31 =	sshll.u32 s1, $0xD;
	s1 =	sshrl.u32 s1, $0x2  }
0xba: {  	s3 =	sand.u32 $0x4000, s31;
	s1 =	sadd.s32 s1, s30  }
0xbb: {  	s0 =	sor.u32 s3, s0;
	s1 =	sshll.u32 s1, $0x11  }
0xbc: {  	s0 =	sor.u32 s1, s0  }
0xbd: {  	s0 =	sadd.s32 $0x8F2B, s0  }
0xbe: {  	[sflag:s0] =	ssyncadd.remote.s32 $0x1  }
0xbf: {  	_ =	sfence.sel $0xFFFF  }
0xc0: {  	[dreg:$0x0] =	wrdreg $0xFFFFFFFF;
	(pc) =	sbr.abs _section_cstart, $3  }
0xc1: {  	[dreg:$0x1] =	wrdreg $0xFFFFFFFF  }
0xc2: {  	_ =	task.clear_ibuf [dreg:s7], $0x2FFFF;
	_ =	strace $0x9FFFFFFF  }
0xc3: {  	(tm) =	ssettm $0x7FFFFFFF  }
tec
execute0_lowered:
.L_overlay_start_1:
0x0: {  	(tag) =	ssettag $0x1  }
0x1: {  	s5 =	rddreg [dreg:$0x0]  }
0x2: {  	s1 =	srdreg.scid;
	s8 =	rddreg [dreg:$0x1]  }
0x3: {  	s0 =	stileid.u32;
	s2 =	rddreg [dreg:$0x2];
	s3 =	simm.s32 $0x0  }
0x4: {  	s13 =	simm.s32 $0x7D;
	s14 =	simm.s32 $0x1;
	s15 =	simm.s32 $0x20  }
0x5: {  	s16 =	simm.s32 $0x10;
	s17 =	simm.s32 $0x0;
	s6 =	sand.u32 $0x1, s1  }
0x6: {  	s28 =	sshll.u32 s0, $0x1;
	s1 =	rddreg [dreg:$0x3];
	s9 =	smul.u32 $0xA00, s0  }
0x7: {  	[smem:$0x7FF] =	sst s3;
	s11 =	smul.u32 $0x500, s0;
	s30 =	sshll.u32 s0, $0x6  }
0x8: {  	s4 =	sor.u32 s6, s28;
	_ =	strace $0x80000047;
	s10 =	ssub.s32 $0x2, s6  }
0x9: {  	s6 =	sshll.u32 s6, $0x7;
	s4 =	smul.u32 $0x500, s4;
	s12 =	sshrl.u32 s10, $0x1  }
0xa: {  	s9 =	sshrl.u32 s9, $0x2;
	s6 =	sor.u32 s6, s11;
	s11 =	simm.s32 $0x2  }
0xb: {  	s10 =	ssub.s32 s10, s12;
	s29 =	sadd.s32 s9, s2;
	s31 =	sshrl.u32 s6, $0x3  }
0xc: {  	s6 =	sor.u32 $0x1C02, s30;
	s12 =	simm.s32 $0x2800;
	s7 =	sadd.s32 s4, s5  }
0xd: {  	s4 =	sadd.s32 $0xC000, s5;
	s5 =	sadd.s32 $0xC200, s5;
	s8 =	sadd.s32 s8, s31  }
0xe: {  	s9 =	smax.u32 s10, $0x1;
	s10 =	sshrl.u32 s29, $0x3;
	s7 =	sadd.s32 $0x2000, s7  }
.LBB2_1:
0xf: {  	[spmem:s10], [sflag:s6] =	dma.local [hbm:s5], $0x50  }
0x10: {  	_ =	swait.ge [sflag:s11], $0x50  }
0x11: {  	[sflag:s11] =	ssyncset.done $0x0  }
0x12: {  	[sflag:s11] =	ssyncadd.s32 $0xFFFFFFB0  }
0x13: {  	[tilespmem:s12], [sflag:$0x2] =	stream.linear.gather [hbm4b:s4+s3], $0x80, $0x38;
	[tilespmem:$0x2B00] =	vst v63  }
0x14: {  	_ =	swait.ge [sflag:s11], $0x80  }
0x15: {  	[sflag:s11] =	ssyncset.done $0x0  }
0x16: {  	[sflag:s11] =	ssyncadd.s32 $0xFFFFFF80  }
0x17: {  	[tilespmem:s3], [sflag:$0x2] =	stream.linear.gather [hbm4b:s7+s3], $0x2800, $0x38;
	[tilespmem:$0x2B00] =	vst v63  }
0x18: {  	_ =	swait.ge [sflag:s11], $0x2800  }
0x19: {  	[sflag:s11] =	ssyncset.done $0x0  }
0x1a: {  	[sflag:s11] =	ssyncadd.s32 $0xFFFFD800  }
0x1b: {  	s18 =	simm.s32 $0x0;
	[bflag:$0x0] =	sbarrier.arrive $0xFFFF  }
.LBB2_2:
0x1c: {  	p0 =	sne.s32 s18, $0x9E00  }
.Ltmp0:
0x1d: {  	_ = 	snop;
	(pc) =	sbr.rel @p0 .LBB2_2-.Ltmp0, $3  }
0x1e: {  	_ =	sdelay $0x1  }
0x1f: {  	s19 =	sshra.s32 s18, $0x2;
	s18 =	sadd.s32 $0x200, s18  }
0x20: {  	[spmem:s2] =	stream.indirect.scatter.add.f32 [tilespmem:s12], [sflag:$0x1], $0x1, s19, s13, $0xb8;
	[tilespmem:$0x2B00] =	vst v63  }
0x21: {  	_ =	swait.ge [sflag:s14], $0x7D  }
0x22: {  	s18 =	simm.s32 $0x4F;
	[sflag:s14] =	ssyncset.done $0x0  }
.LBB2_4:
0x23: {  	p0 =	sne.s32 s18, $0x1;
	s18 =	sadd.s32 $0xFFFFFFFF, s18;
	[sflag:s14] =	ssyncadd.s32 $0xFFFFFF83  }
.Ltmp1:
0x24: {  	(pc) =	sbr.rel @p0 .LBB2_4-.Ltmp1, $3  }
0x25: {  	_ =	sdelay $0x1  }
0x26: {  	_ =	swait.ge [sflag:s14], $0x7D  }
0x27: {  	[sflag:s14] =	ssyncset.done $0x0  }
0x28: {  	s17 =	sadd.s32 $0x1, s17  }
0x29: {  	[sflag:s14] =	ssyncadd.s32 $0xFFFFFF83;
	p0 =	sne.s32 s17, s9  }
.Ltmp2:
0x2a: {  	[bflag:$0x0] =	sbarrier.arrive $0xFFFF;
	(pc) =	sbr.rel @p0 .LBB2_1-.Ltmp2, $4  }
0x2b: {  	[hbm:s8@s15], [sflag:s6] =	dma.strided [spmem:s10@s16], $0x50, s14, $0x10   }
0x2c: {  	_ =	swait.ge [sflag:s11], $0x50  }
0x2d: {  	[sflag:s11] =	ssyncset.done $0x0  }
0x2e: {  	[sflag:s11] =	ssyncadd.s32 $0xFFFFFFB0  }
0x2f: {  	_ =	sfence.sel $0x180000  }
0x30: {  	[bflag:$0x0] =	sbarrier.arrive $0xFFFF  }
0x31: {  	p0 =	sne.s32 s0, $0x0;
	_ =	strace $0x90000047  }
0x32: {  	s0 =	sadd.s32 @!p0 $0x100000, s1;
	[bflag:$0x2] =	sbarrier.arrive $0xFFFF  }
0x33: {  	[sflag:s0] =	ssyncadd.tile.s32 @!p0 $0x1;
	_ =	shalt  }
.Lfunc_end2:
_tile_overlayer_lowered:
.L_overlay_start_2:
0x34: {  	(tag) =	ssettag $0x2  }
0x35: {  	s0 =	rddreg [dreg:$0x0];
	s2 =	stileid.u32  }
0x36: {  	s1 =	rddreg [dreg:$0x1];
	p0 =	sne.s32 s2, $0x0  }
0x37: {  	s3 =	rddreg [dreg:$0x2];
	[bflag:$0x3] =	sbarrier.arrive $0xFFFF;
	s2 =	simm.s32 @!p0 $0x1C02  }
0x38: {  	[timem:s3], [sflag:s2] =	dma.local @!p0 [hbm:s0], s1  }
0x39: {  	s0 =	simm.s32 @!p0 $0x2  }
0x3a: {  	_ =	swait.ge @!p0 [sflag:s0], s1  }
0x3b: {  	s1 =	ssub.s32 @!p0 $0x0, s1;
	[sflag:s0] =	ssyncset.done @!p0 $0x0  }
0x3c: {  	[sflag:s0] =	ssyncadd.s32 @!p0 s1  }
0x3d: {  	[bflag:$0x3] =	sbarrier.arrive $0xFFFF  }
0x3e: {  	_ =	shalt  }

// kernel: kernel.9.cloned.1.call-start
scs
__scs_entry_jumppad:
0x0: {  	(pc) =	sbr.rel $0x88, $3  }
0x1: {  	(tag) =	ssettag $0x0;
	lr =	simm.s32 $0x1  }
0x2: {  	[smem:$0x3F9C] =	sst lr;
	_ =	strace $0xD0000000  }
0x3: {  	_ = 	snop  }
0x4: {  	_ = 	snop  }
0x5: {  	_ = 	snop  }
0x6: {  	_ = 	snop  }
0x7: {  	_ = 	snop  }
__scs_overlays_trampoline_lowered:
0x8: {  	[smem:$0x3FAB] =	sst s0  }
0x9: {  	[smem:$0x3FAC] =	sst s1  }
0xa: {  	[smem:$0x3FAD] =	sst s2  }
0xb: {  	[smem:$0x3FAE] =	sst s3  }
0xc: {  	[smem:$0x3FAF] =	sst s4  }
0xd: {  	[smem:$0x3FB0] =	sst s5  }
0xe: {  	[smem:$0x3FB1] =	sst s6  }
0xf: {  	[smem:$0x3FB2] =	sst s7  }
0x10: {  	[smem:$0x3FB3] =	sst s8  }
0x11: {  	[smem:$0x3FB4] =	sst s9;
	s0 =	simm.s32 @!p0 $0x0  }
0x12: {  	s1 =	sld [smem:$0x3F9A];
	s0 =	simm.s32 @p0 $0x1  }
0x13: {  	[smem:$0x3FB5] =	sst s0;
	s0 =	simm.s32 @!p1 $0x0  }
0x14: {  	s2 =	sld [smem:$0x3F99];
	s0 =	simm.s32 @p1 $0x1  }
0x15: {  	[smem:$0x3FB6] =	sst s0;
	s0 =	simm.s32 @!p2 $0x0  }
0x16: {  	s3 =	sld [smem:$0x3FDB];
	s0 =	simm.s32 @p2 $0x1  }
0x17: {  	s4 =	simm.s32 $0x1BF5;
	[smem:$0x3FB8] =	sst s0  }
0x18: {  	s0 =	sld [smem:$0x3F9B];
	_ =	swait.ge [sflag:s4], $0x0  }
0x19: {  	s7 =	sld [smem:$0x3F9C]  }
0x1a: {  	s8 =	sadd.s32 $0xFFFFE003, lr  }
0x1b: {  	s9 =	sadd.s32 $0xFFFFFEF7, lr;
	s5 =	simm.s32 $0xFFFFFFFF;
	p2 =	slt.u32 s8, $0xFFFFF086  }
0x1c: {  	p1 =	slt.u32 s9, $0xF7A;
	s5 =	simm.s32 @!p2 $0x0  }
0x1d: {  	s5 =	simm.s32 @p1 $0x1;
	p0 =	seq.s32 s7, s2  }
0x1e: {  	s7 =	smul.u32 @!p0 $0xF7A, s2;
	p2 =	seq.s32 @!p0 s5, $0x0  }
0x1f: {  	s9 =	smul.u32 $0xF7A, s1;
	s8 =	simm.s32 @!p0 $0x1BF5;
	p2 =	por !p2, p0  }
0x20: {  	[sflag:s8] =	ssyncset.s32 @!p0 $0xFFFFF086;
	s6 =	sadd.s32 @!p0 s3, s7;
	s7 =	simm.s32 @!p0 $0x108  }
0x21: {  	s3 =	sadd.s32 s3, s9;
	s6 =	sadd.s32 @!p0 $0x88, s6;
	s7 =	simm.s32 @p2 $0x1082  }
0x22: {  	[simem:s7], [sflag:s8] =	dma.local @!p0 [hbm:s6], $0xF7A  }
0x23: {  	s9 =	sor.u32 $0xD0000000, s2;
	s6 =	simm.s32 $0x108;
	_ =	swait.ge @!p0 [sflag:s8], $0x0  }
0x24: {  	s3 =	sadd.s32 $0x88, s3;
	s6 =	simm.s32 @!p1 $0x1082;
	[sflag:s4] =	ssyncset.s32 $0xFFFFF086  }
0x25: {  	[simem:s6], [sflag:s4] =	dma.local [hbm:s3], $0xF7A  }
0x26: {  	[smem:$0x3F9C] =	sst s1;
	(tag) =	ssettag s2;
	_ =	strace s9  }
0x27: {  	s1 =	sld [smem:$0x3FAC]  }
0x28: {  	s2 =	sld [smem:$0x3FAD]  }
0x29: {  	s4 =	sld [smem:$0x3FAF]  }
0x2a: {  	p0 =	seq.s32 s5, $0x0;
	s5 =	sld [smem:$0x3FB0]  }
0x2b: {  	s6 =	sld [smem:$0x3FB1]  }
0x2c: {  	s7 =	sld [smem:$0x3FB2]  }
0x2d: {  	s3 =	simm.s32 $0x108;
	s8 =	sld [smem:$0x3FB3]  }
0x2e: {  	s3 =	simm.s32 @!p0 $0x1082;
	s9 =	sld [smem:$0x3FB4]  }
0x2f: {  	lr =	sadd.s32 s0, s3;
	s0 =	sld [smem:$0x3FAB]  }
0x30: {  	s3 =	sld [smem:$0x3FAE]  }
0x31: {  	[smem:$0x3FB7] =	sst s10  }
0x32: {  	s10 =	sld [smem:$0x3FB5];
	_ =	sdelay $0x3  }
0x33: {  	p0 =	seq.s32 s10, $0x1;
	s10 =	sld [smem:$0x3FB7];
	_ =	sdelay $0x3  }
0x34: {  	[smem:$0x3FB7] =	sst s10  }
0x35: {  	s10 =	sld [smem:$0x3FB6];
	_ =	sdelay $0x3  }
0x36: {  	p1 =	seq.s32 s10, $0x1;
	s10 =	sld [smem:$0x3FB7];
	_ =	sdelay $0x3  }
0x37: {  	[smem:$0x3FB7] =	sst s10  }
0x38: {  	s10 =	sld [smem:$0x3FB8]  }
0x39: {  	_ = 	snop;
	(pc) =	sbr.ind lr, $3  }
0x3a: {  	_ = 	snop  }
0x3b: {  	_ = 	snop  }
0x3c: {  	p2 =	seq.s32 s10, $0x1;
	s10 =	sld [smem:$0x3FB7]  }
0x3d: {  	_ =	shalt  }
0x3e: {  	_ =	shalt  }
0x3f: {  	_ =	shalt  }
0x40: {  	_ =	shalt  }
0x41: {  	_ =	shalt  }
0x42: {  	_ =	shalt  }
0x43: {  	_ =	shalt  }
0x44: {  	_ =	shalt  }
0x45: {  	_ =	shalt  }
0x46: {  	_ =	shalt  }
0x47: {  	_ =	shalt  }
0x48: {  	_ =	shalt  }
0x49: {  	_ =	shalt  }
0x4a: {  	_ =	shalt  }
0x4b: {  	_ =	shalt  }
0x4c: {  	_ =	shalt  }
0x4d: {  	_ =	shalt  }
0x4e: {  	_ =	shalt  }
0x4f: {  	_ =	shalt  }
0x50: {  	_ =	shalt  }
0x51: {  	_ =	shalt  }
0x52: {  	_ =	shalt  }
0x53: {  	_ =	shalt  }
0x54: {  	_ =	shalt  }
0x55: {  	_ =	shalt  }
0x56: {  	_ =	shalt  }
0x57: {  	_ =	shalt  }
0x58: {  	_ =	shalt  }
0x59: {  	_ =	shalt  }
0x5a: {  	_ =	shalt  }
0x5b: {  	_ =	shalt  }
0x5c: {  	_ =	shalt  }
0x5d: {  	_ =	shalt  }
0x5e: {  	_ =	shalt  }
0x5f: {  	_ =	shalt  }
0x60: {  	_ =	shalt  }
0x61: {  	_ =	shalt  }
0x62: {  	_ =	shalt  }
0x63: {  	_ =	shalt  }
0x64: {  	_ =	shalt  }
0x65: {  	_ =	shalt  }
0x66: {  	_ =	shalt  }
0x67: {  	_ =	shalt  }
0x68: {  	_ =	shalt  }
0x69: {  	_ =	shalt  }
0x6a: {  	_ =	shalt  }
0x6b: {  	_ =	shalt  }
0x6c: {  	_ =	shalt  }
0x6d: {  	_ =	shalt  }
0x6e: {  	_ =	shalt  }
0x6f: {  	_ =	shalt  }
0x70: {  	_ =	shalt  }
0x71: {  	_ =	shalt  }
0x72: {  	_ =	shalt  }
0x73: {  	_ =	shalt  }
0x74: {  	_ =	shalt  }
0x75: {  	_ =	shalt  }
0x76: {  	_ =	shalt  }
0x77: {  	_ =	shalt  }
0x78: {  	_ =	shalt  }
0x79: {  	_ =	shalt  }
0x7a: {  	_ =	shalt  }
0x7b: {  	_ =	shalt  }
0x7c: {  	_ =	shalt  }
0x7d: {  	_ =	shalt  }
0x7e: {  	_ =	shalt  }
0x7f: {  	_ =	shalt  }
0x80: {  	_ =	shalt  }
0x81: {  	_ =	shalt  }
0x82: {  	_ =	shalt  }
0x83: {  	_ =	shalt  }
0x84: {  	_ =	shalt  }
0x85: {  	_ =	shalt  }
0x86: {  	_ =	shalt  }
0x87: {  	_ =	shalt  }
.Lfunc_end0:
.L_simem_size_0:
called_computation.1_lowered:
.L_overlay_start_0:
0x88: {  	s2 =	sld [smem:$0x3FD9]  }
0x89: {  	s3 =	sld [smem:$0x3FFE];
	_ =	sdelay $0x1  }
0x8a: {  	s1 =	srdreg.scid  }
0x8b: {  	s0 =	sand.u32 $0x1, s1  }
0x8c: {  	s17 =	sshll.u32 s0, $0xA;
	s2 =	sadd.s32 s3, s2  }
0x8d: {  	s2 =	sadd.s32 s2, s17  }
0x8e: {  	[smem:$0x3FC3] =	sst s2  }
0x8f: {  	_ = 	snop  }
0x90: {  	s2 =	sld [smem:$0x3FD0];
	(tm) =	ssettm $0x1  }
0x91: {  	s18 =	sld [smem:$0x3FFB];
	_ =	sdelay $0x3  }
0x92: {  	_ =	strace s18  }
0x93: {  	s3 =	sld [smem:$0x3FFC];
	_ =	sdelay $0x3  }
0x94: {  	_ =	strace s3  }
0x95: {  	s3 =	sld [smem:$0x3FFD];
	_ =	sdelay $0x3  }
0x96: {  	_ =	strace s3  }
0x97: {  	_ =	strace $0x8FFFFFFF  }
0x98: {  	s19 =	sld [smem:$0x3FDB];
	_ =	sdelay $0x1  }
0x99: {  	s4 =	simm.s32 $_scs_section_size  }
0x9a: {  	s5 =	simm.s32 $_size__tile_overlayer_lowered;
	s6 =	simm.s32 $_tile_overlayer_lowered  }
0x9b: {  	s22 =	simm.s32 $0x1BFF;
	s21 =	sshll.u32 s6, $0x1;
	s3 =	sadd.s32 s4, s19  }
0x9c: {  	s7 =	simm.s32 $0x0;
	s20 =	sshll.u32 s5, $0x1;
	s5 =	sadd.s32 s21, s3  }
0x9d: {  	[timem:s7], [sflag:s22] =	dma.local [hbm:s5], s20  }
0x9e: {  	_ =	swait.ge [sflag:s22], s20  }
0x9f: {  	s4 =	ssub.s32 $0x0, s20;
	[sflag:s22] =	ssyncset.done $0x0  }
0xa0: {  	[sflag:s22] =	ssyncadd.s32 s4;
	_ =	sdelay $0x1  }
0xa1: {  	s23 =	simm.s32 $0x1B8B  }
0xa2: {  	_ =	swait.ge [sflag:s23], $0x1  }
0xa3: {  	[sflag:s23] =	ssyncset.done $0x0  }
0xa4: {  	s25 =	simm.s32 $0x1B8E;
	s24 =	sld [smem:$0x3FFE];
	[sflag:s23] =	ssyncadd.s32 $0xFFFFFFFF  }
0xa5: {  	s26 =	simm.s32 $execute0_lowered;
	[smem:$0x3FD2] =	sst s25  }
0xa6: {  	s5 =	sshll.u32 s26, $0x1;
	_ =	strace $0x80000049;
	[dreg:$0x1] =	wrdreg $0xFFFFFFFF  }
0xa7: {  	s28 =	simm.s32 $_size_execute0_lowered;
	s3 =	sadd.s32 s3, s5;
	[dreg:$0x0] =	wrdreg $0x0  }
0xa8: {  	s5 =	sshll.u32 s28, $0x1;
	[dreg:$0x2] =	wrdreg s3  }
0xa9: {  	[dreg:$0x3] =	wrdreg s5  }
0xaa: {  	[dreg:$0x4] =	wrdreg $0xC0  }
0xab: {  	_ =	task [dreg:s7], $0x5FFFF  }
0xac: {  	[dreg:$0x1] =	wrdreg $0xFFFFFFFF  }
0xad: {  	[dreg:$0x0] =	wrdreg $0x60  }
0xae: {  	[dreg:$0x2] =	wrdreg s2  }
0xaf: {  	[dreg:$0x3] =	wrdreg s24  }
0xb0: {  	[dreg:$0x4] =	wrdreg $0xA8000  }
0xb1: {  	[dreg:$0x5] =	wrdreg $0x9  }
0xb2: {  	_ =	task.clear_ibuf [dreg:s7], $0x6FFFF;
	_ =	strace $0x90000049  }
0xb3: {  	s29 =	simm.s32 $0x9;
	_ =	strace $0x8000004B  }
0xb4: {  	_ =	swait.ge [sflag:s29], $0x1  }
0xb5: {  	[sflag:s29] =	ssyncadd.s32 $0xFFFFFFFF  }
0xb6: {  	_ =	strace $0x9000004B  }
0xb7: {  	_ =	sfence  }
0xb8: {  	s30 =	sld [smem:$0x0];
	_ =	sdelay $0x2  }
0xb9: {  	s31 =	sshll.u32 s1, $0xD;
	s1 =	sshrl.u32 s1, $0x2  }
0xba: {  	s3 =	sand.u32 $0x4000, s31;
	s1 =	sadd.s32 s1, s30  }
0xbb: {  	s0 =	sor.u32 s3, s0;
	s1 =	sshll.u32 s1, $0x11  }
0xbc: {  	s0 =	sor.u32 s1, s0  }
0xbd: {  	s0 =	sadd.s32 $0x8F2B, s0  }
0xbe: {  	[sflag:s0] =	ssyncadd.remote.s32 $0x1  }
0xbf: {  	_ =	sfence.sel $0xFFFF  }
0xc0: {  	[dreg:$0x0] =	wrdreg $0xFFFFFFFF;
	(pc) =	sbr.abs _section_cstart, $3  }
0xc1: {  	[dreg:$0x1] =	wrdreg $0xFFFFFFFF  }
0xc2: {  	_ =	task.clear_ibuf [dreg:s7], $0x2FFFF;
	_ =	strace $0x9FFFFFFF  }
0xc3: {  	(tm) =	ssettm $0x7FFFFFFF  }
tec
execute0_lowered:
.L_overlay_start_1:
0x0: {  	(tag) =	ssettag $0x1  }
0x1: {  	s1 =	rddreg [dreg:$0x0]  }
0x2: {  	s6 =	rddreg [dreg:$0x1]  }
0x3: {  	s2 =	rddreg [dreg:$0x2]  }
0x4: {  	s0 =	rddreg [dreg:$0x3]  }
0x5: {  	s4 =	simm.s32 $0x0;
	s3 =	srdreg.scid;
	s16 =	simm.s32 $0x7D  }
0x6: {  	s17 =	simm.s32 $0x2800;
	s18 =	simm.s32 $0x6800;
	s19 =	simm.s32 $0x1  }
0x7: {  	s20 =	simm.s32 $0x2;
	s21 =	simm.s32 $0x1380;
	s22 =	simm.s32 $0x2700  }
0x8: {  	s23 =	simm.s32 $0x2780;
	[smem:$0x7FF] =	sst s4;
	s7 =	sand.u32 $0x1, s3  }
0x9: {  	s3 =	stileid.u32;
	s10 =	sadd.s32 $0xC400, s6;
	s8 =	smul.u32 $0x140000, s7  }
0xa: {  	s11 =	sadd.s32 $0x2000, s6;
	_ =	strace $0x8000004A;
	s9 =	smul.u32 $0x14000, s3  }
0xb: {  	s5 =	sshll.u32 s3, $0x1;
	s25 =	smul.u32 $0x50000, s3;
	s31 =	sshll.u32 s3, $0x6  }
0xc: {  	s12 =	sor.u32 s7, s5;
	s5 =	sadd.s32 $0x16400, s6;
	s7 =	ssub.s32 $0x2, s7  }
0xd: {  	s8 =	sadd.s32 s9, s8;
	s24 =	smul.u32 $0x2800, s12;
	s26 =	sshrl.u32 s7, $0x1  }
0xe: {  	s29 =	sshrl.u32 s25, $0x2;
	s12 =	simm.s32 $0x3;
	s8 =	sshrl.u32 s8, $0x3  }
0xf: {  	s14 =	ssub.s32 s7, s26;
	s15 =	sadd.s32 s29, s2;
	s13 =	sadd.s32 s8, s6  }
0x10: {  	s28 =	sshrl.u32 s24, $0x3;
	s15 =	sshrl.u32 s15, $0x3;
	s24 =	simm.s32 $0x0  }
0x11: {  	s6 =	sadd.s32 s10, s28;
	s7 =	sadd.s32 s11, s28;
	s30 =	sadd.s32 $0x280, s28  }
0x12: {  	s8 =	sadd.s32 s10, s30;
	s9 =	sadd.s32 s11, s30;
	s10 =	sadd.s32 $0x18C00, s13  }
0x13: {  	s11 =	smax.u32 s14, $0x1;
	s13 =	simm.s32 $0x1400;
	s14 =	sor.u32 $0x1C03, s31  }
.LBB2_1:
0x14: {  	[tilespmem:s4], [sflag:$0x3] =	stream.linear.gather [hbm4b:s6+s4], $0x1400, $0x38;
	[tilespmem:$0x1E800] =	vst v63  }
0x15: {  	_ =	swait.ge [sflag:s12], $0x1400  }
0x16: {  	[sflag:s12] =	ssyncset.done $0x0  }
0x17: {  	[sflag:s12] =	ssyncadd.s32 $0xFFFFEC00  }
0x18: {  	[tilespmem:s13], [sflag:$0x3] =	stream.linear.gather [hbm4b:s7+s4], $0x1400, $0x38;
	[tilespmem:$0x1E800] =	vst v63  }
0x19: {  	_ =	swait.ge [sflag:s12], $0x1400  }
0x1a: {  	[sflag:s12] =	ssyncset.done $0x0  }
0x1b: {  	[sflag:s12] =	ssyncadd.s32 $0xFFFFEC00  }
0x1c: {  	[spmem:s15], [sflag:s14] =	dma.local [hbm:s5], $0x2800  }
0x1d: {  	_ =	swait.ge [sflag:s12], $0x2800  }
0x1e: {  	[sflag:s12] =	ssyncset.done $0x0  }
0x1f: {  	[sflag:s12] =	ssyncadd.s32 $0xFFFFD800  }
0x20: {  	[bflag:$0x0] =	sbarrier.arrive $0xFFFF  }
0x21: {  	[tilespmem:s17], [sflag:$0x1] =	stream.indirect.gather [hbm4b:s1+s16], $0x80, s4, s16, $0xb8;
	[tilespmem:$0x1E800] =	vst v63  }
0x22: {  	s25 =	simm.s32 $0x80  }
0x23: {  	[tilespmem:s18], [sflag:$0x2] =	stream.indirect.gather [hbm4b:s1+s16], $0x80, s25, s16, $0xb8;
	[tilespmem:$0x1E800] =	vst v63  }
0x24: {  	_ =	swait.ge [sflag:s19], $0x3E80  }
0x25: {  	[sflag:s19] =	ssyncset.done $0x0  }
0x26: {  	s29 =	simm.s32 $0x1400;
	[sflag:s19] =	ssyncadd.s32 $0xFFFFC180  }
0x27: {  	[spmem:s2] =	stream.indirect.scatter.add.f32 [tilespmem:s17], [sflag:$0x3], $0x80, s29, s16, $0xb8;
	[tilespmem:$0x1E800] =	vst v63  }
0x28: {  	_ =	swait.ge [sflag:s12], $0x3E80  }
0x29: {  	[sflag:s12] =	ssyncset.done $0x0  }
0x2a: {  	s30 =	simm.s32 $0x100;
	[sflag:s12] =	ssyncadd.s32 $0xFFFFC180  }
0x2b: {  	[tilespmem:s17], [sflag:$0x1] =	stream.indirect.gather [hbm4b:s1+s16], $0x80, s30, s16, $0xb8;
	[tilespmem:$0x1E800] =	vst v63  }
0x2c: {  	_ =	swait.ge [sflag:s20], $0x3E80  }
0x2d: {  	[sflag:s20] =	ssyncset.done $0x0  }
0x2e: {  	s31 =	simm.s32 $0x1480;
	[sflag:s20] =	ssyncadd.s32 $0xFFFFC180  }
0x2f: {  	[spmem:s2] =	stream.indirect.scatter.add.f32 [tilespmem:s18], [sflag:$0x3], $0x80, s31, s16, $0xb8;
	[tilespmem:$0x1E800] =	vst v63  }
0x30: {  	_ =	swait.ge [sflag:s12], $0x3E80  }
0x31: {  	s26 =	simm.s32 $0x800;
	s25 =	simm.s32 $0x100;
	[sflag:s12] =	ssyncset.done $0x0  }
.LBB2_2:
0x32: {  	s28 =	sadd.s32 $0x80, s25  }
0x33: {  	[sflag:s12] =	ssyncadd.s32 $0xFFFFC180;
	s29 =	smov.u32 s26;
	s30 =	sadd.s32 $0x400, s26  }
0x34: {  	[tilespmem:s18], [sflag:$0x2] =	stream.indirect.gather [hbm4b:s1+s16], $0x80, s28, s16, $0xb8;
	[tilespmem:$0x1E800] =	vst v63  }
0x35: {  	p0 =	sne.s32 s26, $0x4800;
	_ =	swait.ge [sflag:s19], $0x3E80  }
0x36: {  	[sflag:s19] =	ssyncset.done $0x0  }
0x37: {  	s26 =	sadd.s32 $0x1400, s25;
	[sflag:s19] =	ssyncadd.s32 $0xFFFFC180  }
0x38: {  	[spmem:s2] =	stream.indirect.scatter.add.f32 [tilespmem:s17], [sflag:$0x3], $0x80, s26, s16, $0xb8;
	[tilespmem:$0x1E800] =	vst v63  }
0x39: {  	_ =	swait.ge [sflag:s12], $0x3E80  }
0x3a: {  	[sflag:s12] =	ssyncset.done $0x0  }
0x3b: {  	s26 =	sadd.s32 $0x100, s25;
	[sflag:s12] =	ssyncadd.s32 $0xFFFFC180  }
0x3c: {  	[tilespmem:s17], [sflag:$0x1] =	stream.indirect.gather [hbm4b:s1+s16], $0x80, s26, s16, $0xb8;
	[tilespmem:$0x1E800] =	vst v63  }
0x3d: {  	_ =	swait.ge [sflag:s20], $0x3E80  }
.Ltmp0:
0x3e: {  	[sflag:s20] =	ssyncset.done $0x0;
	(pc) =	sbr.rel @p0 .LBB2_2-.Ltmp0, $4  }
0x3f: {  	s25 =	sadd.s32 $0x1480, s25;
	[sflag:s20] =	ssyncadd.s32 $0xFFFFC180  }
0x40: {  	[spmem:s2] =	stream.indirect.scatter.add.f32 [tilespmem:s18], [sflag:$0x3], $0x80, s25, s16, $0xb8;
	[tilespmem:$0x1E800] =	vst v63  }
0x41: {  	_ =	swait.ge [sflag:s12], $0x3E80  }
0x42: {  	s26 =	smov.u32 s30;
	s25 =	sshra.s32 s29, $0x2;
	[sflag:s12] =	ssyncset.done $0x0  }
0x43: {  	s26 =	sadd.s32 $0x80, s25;
	[sflag:s12] =	ssyncadd.s32 $0xFFFFC180  }
0x44: {  	[tilespmem:s18], [sflag:$0x2] =	stream.indirect.gather [hbm4b:s1+s16], $0x80, s26, s16, $0xb8;
	[tilespmem:$0x1E800] =	vst v63  }
0x45: {  	_ =	swait.ge [sflag:s19], $0x3E80  }
0x46: {  	[sflag:s19] =	ssyncset.done $0x0  }
0x47: {  	s29 =	sadd.s32 $0x1400, s25;
	[sflag:s19] =	ssyncadd.s32 $0xFFFFC180  }
0x48: {  	[spmem:s2] =	stream.indirect.scatter.add.f32 [tilespmem:s17], [sflag:$0x3], $0x80, s29, s16, $0xb8;
	[tilespmem:$0x1E800] =	vst v63  }
0x49: {  	_ =	swait.ge [sflag:s12], $0x3E80  }
0x4a: {  	[sflag:s12] =	ssyncset.done $0x0  }
0x4b: {  	s30 =	sadd.s32 $0x100, s25;
	[sflag:s12] =	ssyncadd.s32 $0xFFFFC180  }
0x4c: {  	[tilespmem:s17], [sflag:$0x1] =	stream.indirect.gather [hbm4b:s1+s16], $0x80, s30, s16, $0xb8;
	[tilespmem:$0x1E800] =	vst v63  }
0x4d: {  	_ =	swait.ge [sflag:s20], $0x3E80  }
0x4e: {  	[sflag:s20] =	ssyncset.done $0x0  }
0x4f: {  	s31 =	sadd.s32 $0x1480, s25;
	[sflag:s20] =	ssyncadd.s32 $0xFFFFC180  }
0x50: {  	[spmem:s2] =	stream.indirect.scatter.add.f32 [tilespmem:s18], [sflag:$0x3], $0x80, s31, s16, $0xb8;
	[tilespmem:$0x1E800] =	vst v63  }
0x51: {  	_ =	swait.ge [sflag:s12], $0x3E80  }
0x52: {  	[sflag:s12] =	ssyncset.done $0x0  }
0x53: {  	[sflag:s12] =	ssyncadd.s32 $0xFFFFC180  }
0x54: {  	[tilespmem:s18], [sflag:$0x2] =	stream.indirect.gather [hbm4b:s1+s16], $0x80, s21, s16, $0xb8;
	[tilespmem:$0x1E800] =	vst v63  }
0x55: {  	_ =	swait.ge [sflag:s19], $0x3E80  }
0x56: {  	[sflag:s19] =	ssyncset.done $0x0  }
0x57: {  	[sflag:s19] =	ssyncadd.s32 $0xFFFFC180  }
0x58: {  	[spmem:s2] =	stream.indirect.scatter.add.f32 [tilespmem:s17], [sflag:$0x3], $0x80, s22, s16, $0xb8;
	[tilespmem:$0x1E800] =	vst v63  }
0x59: {  	_ =	swait.ge [sflag:s12], $0x3E80  }
0x5a: {  	[sflag:s12] =	ssyncset.done $0x0  }
0x5b: {  	[sflag:s12] =	ssyncadd.s32 $0xFFFFC180  }
0x5c: {  	_ =	swait.ge [sflag:s20], $0x3E80  }
0x5d: {  	[sflag:s20] =	ssyncset.done $0x0  }
0x5e: {  	[sflag:s20] =	ssyncadd.s32 $0xFFFFC180  }
0x5f: {  	[spmem:s2] =	stream.indirect.scatter.add.f32 [tilespmem:s18], [sflag:$0x3], $0x80, s23, s16, $0xb8;
	[tilespmem:$0x1E800] =	vst v63  }
0x60: {  	_ =	swait.ge [sflag:s12], $0x3E80  }
0x61: {  	[sflag:s12] =	ssyncset.done $0x0  }
0x62: {  	s26 =	simm.s32 $0x0;
	[sflag:s12] =	ssyncadd.s32 $0xFFFFC180  }
0x63: {  	[tilespmem:s26], [sflag:$0x3] =	stream.linear.gather [hbm4b:s8+s26], $0x1400, $0x38;
	[tilespmem:$0x1E800] =	vst v63  }
0x64: {  	_ =	swait.ge [sflag:s12], $0x1400  }
0x65: {  	[sflag:s12] =	ssyncset.done $0x0  }
0x66: {  	[sflag:s12] =	ssyncadd.s32 $0xFFFFEC00  }
0x67: {  	[tilespmem:s13], [sflag:$0x3] =	stream.linear.gather [hbm4b:s9+s26], $0x1400, $0x38;
	[tilespmem:$0x1E800] =	vst v63  }
0x68: {  	_ =	swait.ge [sflag:s12], $0x1400  }
0x69: {  	[sflag:s12] =	ssyncset.done $0x0  }
0x6a: {  	[sflag:s12] =	ssyncadd.s32 $0xFFFFEC00  }
0x6b: {  	[tilespmem:s17], [sflag:$0x1] =	stream.indirect.gather [hbm4b:s1+s16], $0x80, s26, s16, $0xb8;
	[tilespmem:$0x1E800] =	vst v63  }
0x6c: {  	s28 =	simm.s32 $0x80  }
0x6d: {  	[tilespmem:s18], [sflag:$0x2] =	stream.indirect.gather [hbm4b:s1+s16], $0x80, s28, s16, $0xb8;
	[tilespmem:$0x1E800] =	vst v63  }
0x6e: {  	_ =	swait.ge [sflag:s19], $0x3E80  }
0x6f: {  	[sflag:s19] =	ssyncset.done $0x0  }
0x70: {  	s29 =	simm.s32 $0x1400;
	[sflag:s19] =	ssyncadd.s32 $0xFFFFC180  }
0x71: {  	[spmem:s2] =	stream.indirect.scatter.add.f32 [tilespmem:s17], [sflag:$0x3], $0x80, s29, s16, $0xb8;
	[tilespmem:$0x1E800] =	vst v63  }
0x72: {  	_ =	swait.ge [sflag:s12], $0x3E80  }
0x73: {  	[sflag:s12] =	ssyncset.done $0x0  }
0x74: {  	s30 =	simm.s32 $0x100;
	[sflag:s12] =	ssyncadd.s32 $0xFFFFC180  }
0x75: {  	[tilespmem:s17], [sflag:$0x1] =	stream.indirect.gather [hbm4b:s1+s16], $0x80, s30, s16, $0xb8;
	[tilespmem:$0x1E800] =	vst v63  }
0x76: {  	_ =	swait.ge [sflag:s20], $0x3E80  }
0x77: {  	[sflag:s20] =	ssyncset.done $0x0  }
0x78: {  	s31 =	simm.s32 $0x1480;
	[sflag:s20] =	ssyncadd.s32 $0xFFFFC180  }
0x79: {  	[spmem:s2] =	stream.indirect.scatter.add.f32 [tilespmem:s18], [sflag:$0x3], $0x80, s31, s16, $0xb8;
	[tilespmem:$0x1E800] =	vst v63  }
0x7a: {  	_ =	swait.ge [sflag:s12], $0x3E80  }
0x7b: {  	s25 =	simm.s32 $0x100;
	s26 =	simm.s32 $0x800;
	[sflag:s12] =	ssyncset.done $0x0  }
.LBB2_4:
0x7c: {  	s28 =	sadd.s32 $0x80, s25  }
0x7d: {  	[sflag:s12] =	ssyncadd.s32 $0xFFFFC180;
	s29 =	smov.u32 s26;
	s30 =	sadd.s32 $0x400, s26  }
0x7e: {  	[tilespmem:s18], [sflag:$0x2] =	stream.indirect.gather [hbm4b:s1+s16], $0x80, s28, s16, $0xb8;
	[tilespmem:$0x1E800] =	vst v63  }
0x7f: {  	p0 =	sne.s32 s26, $0x4800;
	_ =	swait.ge [sflag:s19], $0x3E80  }
0x80: {  	[sflag:s19] =	ssyncset.done $0x0  }
0x81: {  	s26 =	sadd.s32 $0x1400, s25;
	[sflag:s19] =	ssyncadd.s32 $0xFFFFC180  }
0x82: {  	[spmem:s2] =	stream.indirect.scatter.add.f32 [tilespmem:s17], [sflag:$0x3], $0x80, s26, s16, $0xb8;
	[tilespmem:$0x1E800] =	vst v63  }
0x83: {  	_ =	swait.ge [sflag:s12], $0x3E80  }
0x84: {  	[sflag:s12] =	ssyncset.done $0x0  }
0x85: {  	s26 =	sadd.s32 $0x100, s25;
	[sflag:s12] =	ssyncadd.s32 $0xFFFFC180  }
0x86: {  	[tilespmem:s17], [sflag:$0x1] =	stream.indirect.gather [hbm4b:s1+s16], $0x80, s26, s16, $0xb8;
	[tilespmem:$0x1E800] =	vst v63  }
0x87: {  	_ =	swait.ge [sflag:s20], $0x3E80  }
.Ltmp1:
0x88: {  	[sflag:s20] =	ssyncset.done $0x0;
	(pc) =	sbr.rel @p0 .LBB2_4-.Ltmp1, $4  }
0x89: {  	s25 =	sadd.s32 $0x1480, s25;
	[sflag:s20] =	ssyncadd.s32 $0xFFFFC180  }
0x8a: {  	[spmem:s2] =	stream.indirect.scatter.add.f32 [tilespmem:s18], [sflag:$0x3], $0x80, s25, s16, $0xb8;
	[tilespmem:$0x1E800] =	vst v63  }
0x8b: {  	_ =	swait.ge [sflag:s12], $0x3E80  }
0x8c: {  	s26 =	smov.u32 s30;
	s25 =	sshra.s32 s29, $0x2;
	[sflag:s12] =	ssyncset.done $0x0  }
0x8d: {  	s26 =	sadd.s32 $0x80, s25;
	[sflag:s12] =	ssyncadd.s32 $0xFFFFC180  }
0x8e: {  	[tilespmem:s18], [sflag:$0x2] =	stream.indirect.gather [hbm4b:s1+s16], $0x80, s26, s16, $0xb8;
	[tilespmem:$0x1E800] =	vst v63  }
0x8f: {  	_ =	swait.ge [sflag:s19], $0x3E80  }
0x90: {  	[sflag:s19] =	ssyncset.done $0x0  }
0x91: {  	s29 =	sadd.s32 $0x1400, s25;
	[sflag:s19] =	ssyncadd.s32 $0xFFFFC180  }
0x92: {  	[spmem:s2] =	stream.indirect.scatter.add.f32 [tilespmem:s17], [sflag:$0x3], $0x80, s29, s16, $0xb8;
	[tilespmem:$0x1E800] =	vst v63  }
0x93: {  	_ =	swait.ge [sflag:s12], $0x3E80  }
0x94: {  	[sflag:s12] =	ssyncset.done $0x0  }
0x95: {  	s30 =	sadd.s32 $0x100, s25;
	[sflag:s12] =	ssyncadd.s32 $0xFFFFC180  }
0x96: {  	[tilespmem:s17], [sflag:$0x1] =	stream.indirect.gather [hbm4b:s1+s16], $0x80, s30, s16, $0xb8;
	[tilespmem:$0x1E800] =	vst v63  }
0x97: {  	_ =	swait.ge [sflag:s20], $0x3E80  }
0x98: {  	[sflag:s20] =	ssyncset.done $0x0  }
0x99: {  	s31 =	sadd.s32 $0x1480, s25;
	[sflag:s20] =	ssyncadd.s32 $0xFFFFC180  }
0x9a: {  	[spmem:s2] =	stream.indirect.scatter.add.f32 [tilespmem:s18], [sflag:$0x3], $0x80, s31, s16, $0xb8;
	[tilespmem:$0x1E800] =	vst v63  }
0x9b: {  	_ =	swait.ge [sflag:s12], $0x3E80  }
0x9c: {  	[sflag:s12] =	ssyncset.done $0x0  }
0x9d: {  	[sflag:s12] =	ssyncadd.s32 $0xFFFFC180  }
0x9e: {  	[tilespmem:s18], [sflag:$0x2] =	stream.indirect.gather [hbm4b:s1+s16], $0x80, s21, s16, $0xb8;
	[tilespmem:$0x1E800] =	vst v63  }
0x9f: {  	_ =	swait.ge [sflag:s19], $0x3E80  }
0xa0: {  	[sflag:s19] =	ssyncset.done $0x0  }
0xa1: {  	[sflag:s19] =	ssyncadd.s32 $0xFFFFC180  }
0xa2: {  	[spmem:s2] =	stream.indirect.scatter.add.f32 [tilespmem:s17], [sflag:$0x3], $0x80, s22, s16, $0xb8;
	[tilespmem:$0x1E800] =	vst v63  }
0xa3: {  	_ =	swait.ge [sflag:s12], $0x3E80  }
0xa4: {  	[sflag:s12] =	ssyncset.done $0x0  }
0xa5: {  	[sflag:s12] =	ssyncadd.s32 $0xFFFFC180  }
0xa6: {  	_ =	swait.ge [sflag:s20], $0x3E80  }
0xa7: {  	[sflag:s20] =	ssyncset.done $0x0  }
0xa8: {  	[sflag:s20] =	ssyncadd.s32 $0xFFFFC180  }
0xa9: {  	[spmem:s2] =	stream.indirect.scatter.add.f32 [tilespmem:s18], [sflag:$0x3], $0x80, s23, s16, $0xb8;
	[tilespmem:$0x1E800] =	vst v63  }
0xaa: {  	_ =	swait.ge [sflag:s12], $0x3E80  }
0xab: {  	s24 =	sadd.s32 $0x1, s24;
	[sflag:s12] =	ssyncset.done $0x0  }
0xac: {  	p0 =	sne.s32 s24, s11;
	[sflag:s12] =	ssyncadd.s32 $0xFFFFC180  }
.Ltmp2:
0xad: {  	[bflag:$0x0] =	sbarrier.arrive $0xFFFF;
	(pc) =	sbr.rel @p0 .LBB2_1-.Ltmp2, $4  }
0xae: {  	[hbm:s10], [sflag:s14] =	dma.local [spmem:s15], $0x2800  }
0xaf: {  	_ =	swait.ge [sflag:s12], $0x2800  }
0xb0: {  	[sflag:s12] =	ssyncset.done $0x0  }
0xb1: {  	[sflag:s12] =	ssyncadd.s32 $0xFFFFD800  }
0xb2: {  	_ =	sfence.sel $0x180000  }
0xb3: {  	[bflag:$0x0] =	sbarrier.arrive $0xFFFF  }
0xb4: {  	p0 =	sne.s32 s3, $0x0;
	_ =	strace $0x9000004A  }
0xb5: {  	s0 =	sadd.s32 @!p0 $0x100000, s0;
	[bflag:$0x2] =	sbarrier.arrive $0xFFFF  }
0xb6: {  	[sflag:s0] =	ssyncadd.tile.s32 @!p0 $0x1;
	_ =	shalt  }
.Lfunc_end2:
_tile_overlayer_lowered:
.L_overlay_start_2:
0xb7: {  	(tag) =	ssettag $0x2  }
0xb8: {  	s0 =	rddreg [dreg:$0x0];
	s2 =	stileid.u32  }
0xb9: {  	s1 =	rddreg [dreg:$0x1];
	p0 =	sne.s32 s2, $0x0  }
0xba: {  	s3 =	rddreg [dreg:$0x2];
	[bflag:$0x3] =	sbarrier.arrive $0xFFFF;
	s2 =	simm.s32 @!p0 $0x1C03  }
0xbb: {  	[timem:s3], [sflag:s2] =	dma.local @!p0 [hbm:s0], s1  }
0xbc: {  	s0 =	simm.s32 @!p0 $0x3  }
0xbd: {  	_ =	swait.ge @!p0 [sflag:s0], s1  }
0xbe: {  	s1 =	ssub.s32 @!p0 $0x0, s1;
	[sflag:s0] =	ssyncset.done @!p0 $0x0  }
0xbf: {  	[sflag:s0] =	ssyncadd.s32 @!p0 s1  }
0xc0: {  	[bflag:$0x3] =	sbarrier.arrive $0xFFFF  }
0xc1: {  	_ =	shalt  }

</sc_bundles>
